<compile_context>
chip_gen: v7x
topology: tpu7x:2x2x1
jax: 0.10.2.dev20260603
libtpu: 0.0.44.dev20260713+nightly
codegen_flags: <defaults>
</compile_context>

<pallas_src>
import functools

import jax
import jax.numpy as jnp
from jax import lax
from jax.experimental import pallas as pl
from jax.experimental.pallas import tpu as pltpu
from jax.experimental.pallas import tpu_sc as plsc

B = 16
C = 384
CH = C // 2
HW = 4096
P = 256
NC, NS = 2, 16
NW = NC * NS
RPT = B * P // NW
L = 16
NV = CH // L
OPAD = 2 * 128


def _rsqrt(s):
    i = plsc.bitcast(s, jnp.int32)
    i = jnp.int32(0x5F3759DF) - lax.shift_right_arithmetic(i, 1)
    y = plsc.bitcast(i, jnp.float32)
    half = s * 0.5
    for _ in range(2):
        y = y * (1.5 - half * y * y)
    return y


def _sc_body(x_hbm, pid_hbm, out_hbm, pid_v, idx0, idx1, rows_v,
             ssq_all, out_local, sem, sem1, semw):
    cid = lax.axis_index("c")
    sid = lax.axis_index("s")
    wid = cid * NS + sid
    b = lax.div(wid, 2)
    poff = lax.rem(wid, 2) * RPT

    RH = RPT // 2

    with jax.named_scope("idx_setup"):
        pltpu.sync_copy(pid_hbm.at[pl.ds(poff, RPT)], pid_v)

        base = b * HW
        for k in range(RH // L):
            idx0[pl.ds(k * L, L)] = pid_v[pl.ds(k * L, L)] + base
            idx1[pl.ds(k * L, L)] = pid_v[pl.ds(RH + k * L, L)] + base

    with jax.named_scope("row_gather_start"):
        d0 = pltpu.async_copy(x_hbm.at[idx0], rows_v.at[pl.ds(0, RH)], sem)
        d1 = pltpu.async_copy(x_hbm.at[idx1], rows_v.at[pl.ds(RH, RH)],
                              sem1)

    lane15 = jnp.full((L,), L - 1, dtype=jnp.int32)

    def row_norm(i, base_r):
        rs = [base_r + i * 4 + u for u in range(4)]
        vs, facs = [], []
        for r in rs:
            v = [rows_v[r, pl.ds(t * L, L)] for t in range(NV)]
            acc = v[0] * v[0]
            for t in range(1, NV):
                acc = acc + v[t] * v[t]
            ssq_all[r] = plsc.cumsum(acc)
            vs.append(v)
        for r in rs:
            rv = jnp.full((L,), r, dtype=jnp.int32)
            s = plsc.load_gather(ssq_all, [rv, lane15])
            norm = s * _rsqrt(s)
            facs.append(1.0 / (norm + 1e-7))
        for r, v, fac in zip(rs, vs, facs):
            for t in range(NV):
                out_local[r, pl.ds(t * L, L)] = v[t] * fac
        return base_r

    with jax.named_scope("half0"):
        d0.wait()
        lax.fori_loop(0, RH // 4, row_norm, 0)
        w0 = pltpu.async_copy(
            out_local.at[pl.ds(0, RH)],
            out_hbm.at[pl.ds(wid * RPT, RH)], semw)

    with jax.named_scope("half1"):
        d1.wait()
        lax.fori_loop(0, RH // 4, row_norm, RH)
        pltpu.sync_copy(out_local.at[pl.ds(RH, RH)],
                        out_hbm.at[pl.ds(wid * RPT + RH, RH)])
        w0.wait()


@jax.jit
def _run(x4, patch_ids):
    xt = jnp.transpose(x4, (0, 2, 3, 1)).reshape(B * HW, C)
    mesh = plsc.VectorSubcoreMesh(
        core_axis_name="c", subcore_axis_name="s",
        num_cores=NC, num_subcores=NS)
    f = pl.kernel(
        _sc_body,
        out_type=jax.ShapeDtypeStruct((B * P, OPAD), jnp.float32),
        mesh=mesh,
        scratch_types=[
            pltpu.VMEM((RPT,), jnp.int32),
            pltpu.VMEM((RPT // 2,), jnp.int32),
            pltpu.VMEM((RPT // 2,), jnp.int32),
            pltpu.VMEM((RPT, C), jnp.float32),
            pltpu.VMEM((RPT, L), jnp.float32),
            pltpu.VMEM((RPT, OPAD), jnp.float32),
            pltpu.SemaphoreType.DMA,
            pltpu.SemaphoreType.DMA,
            pltpu.SemaphoreType.DMA,
        ],
        compiler_params=pltpu.CompilerParams(
            use_tc_tiling_on_sc=True, needs_layout_passes=False),
    )
    return f(xt, patch_ids)[:, :CH]


def kernel(x, num_patches, patch_ids):
    out = _run(x, patch_ids)
    return (out, patch_ids)

# --- scband reference (transcript-rebuilt; emitter-appended) ---
"""Pipeline reference for scband-direct-clr-25288767439569 (READ-ONLY COPY).

The authoritative reference and input builder live on the scoring server;
editing this copy changes nothing except your own understanding.
"""

import jax, jax.numpy as jnp
import numpy as np


def setup_inputs(seed: int = 0) -> dict:
    key = jax.random.key(seed)
    k1, k2 = jax.random.split(key)
    x = jax.random.normal(k1, (16, 384, 64, 64), dtype=jnp.float32)
    patch_ids = jax.random.randint(k2, (256,), 0, 4096).astype(jnp.int32)
    return {"x": x, "num_patches": 256, "patch_ids": patch_ids}


def reference(x, num_patches, patch_ids):
    # directCLR.forward with use_conv=False
    B, C, H, W = x.shape
    feat = x[:, : C // 2, :, :]
    # permute(0,2,3,1).flatten(1,2) -> [B, H*W, C//2]
    feat_reshape = jnp.transpose(feat, (0, 2, 3, 1)).reshape(B, H * W, C // 2)
    num_patches_static = patch_ids.shape[0]
    if num_patches_static > 0:
        patch_id = patch_ids + jnp.int32(0) * num_patches
        # gather sampled spatial locations, then flatten(0,1)
        feat_sample = jnp.take(feat_reshape, patch_id, axis=1).reshape(-1, C // 2)
    else:
        feat_sample = feat_reshape
        patch_id = patch_ids + jnp.int32(0) * num_patches
    # Normalize(power=2): norm = sum(x^2, dim=1, keepdim=True)^(1/2)
    norm = jnp.power(jnp.sum(jnp.power(feat_sample, 2.0), axis=1, keepdims=True), 0.5)
    out = feat_sample / (norm + 1e-07)
    return (out, patch_id)

if __name__ == "__main__":
    import jax
    _d = setup_inputs()
    print(jax.jit(kernel)(*tuple(_d.values())))

</pallas_src>

<mosaic_0001>
#map = affine_map<(d0, d1) -> (0, 0)>
#map1 = affine_map<(d0, d1) -> (0)>
module attributes {stable_mosaic.version = 14 : i64} {
  func.func @_sc_body(%arg0: i32, %arg1: i32, %arg2: memref<65536x384xf32, #tpu.memory_space<hbm>>, %arg3: memref<256xi32, #tpu.memory_space<hbm>>, %arg4: memref<4096x256xf32, #tpu.memory_space<hbm>>, %arg5: memref<128xi32, #tpu.memory_space<vmem>>, %arg6: memref<64xi32, #tpu.memory_space<vmem>>, %arg7: memref<64xi32, #tpu.memory_space<vmem>>, %arg8: memref<128x384xf32, #tpu.memory_space<vmem>>, %arg9: memref<128x16xf32, #tpu.memory_space<vmem>>, %arg10: memref<128x256xf32, #tpu.memory_space<vmem>>, %arg11: memref<!tpu.dma_semaphore, #tpu.memory_space<semaphore_mem>>, %arg12: memref<!tpu.dma_semaphore, #tpu.memory_space<semaphore_mem>>, %arg13: memref<!tpu.dma_semaphore, #tpu.memory_space<semaphore_mem>>) attributes {dimension_semantics = [#tpu.dimension_semantics<core_parallel>, #tpu.dimension_semantics<subcore_parallel>], iteration_bounds = array<i64: 2, 16>, scalar_prefetch = 0 : i64, scratch_operands = 9 : i64, tpu.core_type = #tpu.core_type<sc_vector_subcore>, window_params = [{transform_indices = #map}, {transform_indices = #map1}, {transform_indices = #map}]} {
    %mul3A = arith.constant 16 : i32
    %mul3A_0 = arith.muli %arg0, %mul3A : i32
    %add3A = arith.addi %mul3A_0, %arg1 : i32
    %div3A = arith.constant 2 : i32
    %div3A_1 = arith.divsi %add3A, %div3A : i32
    %rem3A = arith.constant 2 : i32
    %rem3A_2 = arith.remsi %add3A, %rem3A : i32
    %mul3A_3 = arith.constant 128 : i32
    %mul3A_4 = arith.muli %rem3A_2, %mul3A_3 : i32
    "tpu.trace_start"() <{level = 10 : i32, message = "idx_setup"}> : () -> ()
    "tpu.region"() ({
      %run_scoped3A = tpu.sem_alloc : memref<!tpu.dma_semaphore, #tpu.memory_space<semaphore_mem>>
      %dma_start3A_113 = tpu.memref_slice %arg3[%mul3A_4] : memref<256xi32, #tpu.memory_space<hbm>> -> memref<128xi32, #tpu.memory_space<hbm>>
      %dma_start3A_114 = tpu.memref_slice %arg3[%mul3A_4] : memref<256xi32, #tpu.memory_space<hbm>> -> memref<128xi32, #tpu.memory_space<hbm>>
      tpu.enqueue_dma source(%dma_start3A_114 : memref<128xi32, #tpu.memory_space<hbm>>) target(%arg5 : memref<128xi32, #tpu.memory_space<vmem>>) target_semaphore(%run_scoped3A : memref<!tpu.dma_semaphore, #tpu.memory_space<semaphore_mem>>)
      %dma_wait3A_115 = tpu.memref_slice %arg3[%mul3A_4] : memref<256xi32, #tpu.memory_space<hbm>> -> memref<128xi32, #tpu.memory_space<hbm>>
      %dma_wait3A_116 = tpu.memref_slice %arg3[%mul3A_4] : memref<256xi32, #tpu.memory_space<hbm>> -> memref<128xi32, #tpu.memory_space<hbm>>
      tpu.wait_dma2 semaphore(%run_scoped3A : memref<!tpu.dma_semaphore, #tpu.memory_space<semaphore_mem>>) src(%dma_wait3A_116 : memref<128xi32, #tpu.memory_space<hbm>>) dst(%arg5 : memref<128xi32, #tpu.memory_space<vmem>>)
      tpu.yield
    }) : () -> ()
    %mul3A_5 = arith.constant 4096 : i32
    %mul3A_6 = arith.muli %div3A_1, %mul3A_5 : i32
    %get3A = arith.constant 0 : index
    %get3A_7 = tpu.vector_load %arg5[%get3A] {strides = array<i32>} : memref<128xi32, #tpu.memory_space<vmem>>, vector<16xi32>,
    %add3A_8 = vector.broadcast %mul3A_6 : i32 to vector<16xi32>
    %add3A_9 = arith.addi %get3A_7, %add3A_8 : vector<16xi32>
    %swap3A = arith.constant 0 : index
    %swap3A_10 = tpu.vector_load %arg6[%swap3A] {strides = array<i32>} : memref<64xi32, #tpu.memory_space<vmem>>, vector<16xi32>,
    tpu.vector_store %arg6[%swap3A], %add3A_9 {strides = array<i32>} : memref<64xi32, #tpu.memory_space<vmem>>, vector<16xi32>,
    %get3A_11 = arith.constant 64 : index
    %get3A_12 = tpu.vector_load %arg5[%get3A_11] {strides = array<i32>} : memref<128xi32, #tpu.memory_space<vmem>>, vector<16xi32>,
    %add3A_13 = vector.broadcast %mul3A_6 : i32 to vector<16xi32>
    %add3A_14 = arith.addi %get3A_12, %add3A_13 : vector<16xi32>
    %swap3A_15 = arith.constant 0 : index
    %swap3A_16 = tpu.vector_load %arg7[%swap3A_15] {strides = array<i32>} : memref<64xi32, #tpu.memory_space<vmem>>, vector<16xi32>,
    tpu.vector_store %arg7[%swap3A_15], %add3A_14 {strides = array<i32>} : memref<64xi32, #tpu.memory_space<vmem>>, vector<16xi32>,
    %get3A_17 = arith.constant 16 : index
    %get3A_18 = tpu.vector_load %arg5[%get3A_17] {strides = array<i32>} : memref<128xi32, #tpu.memory_space<vmem>>, vector<16xi32>,
    %add3A_19 = vector.broadcast %mul3A_6 : i32 to vector<16xi32>
    %add3A_20 = arith.addi %get3A_18, %add3A_19 : vector<16xi32>
    %swap3A_21 = arith.constant 16 : index
    %swap3A_22 = tpu.vector_load %arg6[%swap3A_21] {strides = array<i32>} : memref<64xi32, #tpu.memory_space<vmem>>, vector<16xi32>,
    tpu.vector_store %arg6[%swap3A_21], %add3A_20 {strides = array<i32>} : memref<64xi32, #tpu.memory_space<vmem>>, vector<16xi32>,
    %get3A_23 = arith.constant 80 : index
    %get3A_24 = tpu.vector_load %arg5[%get3A_23] {strides = array<i32>} : memref<128xi32, #tpu.memory_space<vmem>>, vector<16xi32>,
    %add3A_25 = vector.broadcast %mul3A_6 : i32 to vector<16xi32>
    %add3A_26 = arith.addi %get3A_24, %add3A_25 : vector<16xi32>
    %swap3A_27 = arith.constant 16 : index
    %swap3A_28 = tpu.vector_load %arg7[%swap3A_27] {strides = array<i32>} : memref<64xi32, #tpu.memory_space<vmem>>, vector<16xi32>,
    tpu.vector_store %arg7[%swap3A_27], %add3A_26 {strides = array<i32>} : memref<64xi32, #tpu.memory_space<vmem>>, vector<16xi32>,
    %get3A_29 = arith.constant 32 : index
    %get3A_30 = tpu.vector_load %arg5[%get3A_29] {strides = array<i32>} : memref<128xi32, #tpu.memory_space<vmem>>, vector<16xi32>,
    %add3A_31 = vector.broadcast %mul3A_6 : i32 to vector<16xi32>
    %add3A_32 = arith.addi %get3A_30, %add3A_31 : vector<16xi32>
    %swap3A_33 = arith.constant 32 : index
    %swap3A_34 = tpu.vector_load %arg6[%swap3A_33] {strides = array<i32>} : memref<64xi32, #tpu.memory_space<vmem>>, vector<16xi32>,
    tpu.vector_store %arg6[%swap3A_33], %add3A_32 {strides = array<i32>} : memref<64xi32, #tpu.memory_space<vmem>>, vector<16xi32>,
    %get3A_35 = arith.constant 96 : index
    %get3A_36 = tpu.vector_load %arg5[%get3A_35] {strides = array<i32>} : memref<128xi32, #tpu.memory_space<vmem>>, vector<16xi32>,
    %add3A_37 = vector.broadcast %mul3A_6 : i32 to vector<16xi32>
    %add3A_38 = arith.addi %get3A_36, %add3A_37 : vector<16xi32>
    %swap3A_39 = arith.constant 32 : index
    %swap3A_40 = tpu.vector_load %arg7[%swap3A_39] {strides = array<i32>} : memref<64xi32, #tpu.memory_space<vmem>>, vector<16xi32>,
    tpu.vector_store %arg7[%swap3A_39], %add3A_38 {strides = array<i32>} : memref<64xi32, #tpu.memory_space<vmem>>, vector<16xi32>,
    %get3A_41 = arith.constant 48 : index
    %get3A_42 = tpu.vector_load %arg5[%get3A_41] {strides = array<i32>} : memref<128xi32, #tpu.memory_space<vmem>>, vector<16xi32>,
    %add3A_43 = vector.broadcast %mul3A_6 : i32 to vector<16xi32>
    %add3A_44 = arith.addi %get3A_42, %add3A_43 : vector<16xi32>
    %swap3A_45 = arith.constant 48 : index
    %swap3A_46 = tpu.vector_load %arg6[%swap3A_45] {strides = array<i32>} : memref<64xi32, #tpu.memory_space<vmem>>, vector<16xi32>,
    tpu.vector_store %arg6[%swap3A_45], %add3A_44 {strides = array<i32>} : memref<64xi32, #tpu.memory_space<vmem>>, vector<16xi32>,
    %get3A_47 = arith.constant 112 : index
    %get3A_48 = tpu.vector_load %arg5[%get3A_47] {strides = array<i32>} : memref<128xi32, #tpu.memory_space<vmem>>, vector<16xi32>,
    %add3A_49 = vector.broadcast %mul3A_6 : i32 to vector<16xi32>
    %add3A_50 = arith.addi %get3A_48, %add3A_49 : vector<16xi32>
    %swap3A_51 = arith.constant 48 : index
    %swap3A_52 = tpu.vector_load %arg7[%swap3A_51] {strides = array<i32>} : memref<64xi32, #tpu.memory_space<vmem>>, vector<16xi32>,
    tpu.vector_store %arg7[%swap3A_51], %add3A_50 {strides = array<i32>} : memref<64xi32, #tpu.memory_space<vmem>>, vector<16xi32>,
    "tpu.trace_stop"() : () -> ()
    "tpu.trace_start"() <{level = 10 : i32, message = "row_gather_start"}> : () -> ()
    %dma_start3A = arith.constant 0 : i32
    %dma_start3A_53 = arith.constant 0 : i32
    %dma_start3A_54 = tpu.memref_slice %arg8[%dma_start3A, %dma_start3A_53] : memref<128x384xf32, #tpu.memory_space<vmem>> -> memref<64x384xf32, #tpu.memory_space<vmem>>
    %dma_start3A_55 = arith.constant 0 : i32
    %dma_start3A_56 = arith.constant 0 : i32
    %dma_start3A_57 = tpu.memref_slice %arg2[%dma_start3A_55, %dma_start3A_56] : memref<65536x384xf32, #tpu.memory_space<hbm>> -> memref<65536x384xf32, #tpu.memory_space<hbm>>
    tpu.enqueue_indirect_dma source(%dma_start3A_57 : memref<65536x384xf32, #tpu.memory_space<hbm>>) target(%dma_start3A_54 : memref<64x384xf32, #tpu.memory_space<vmem>>) offsets(%arg6 : memref<64xi32, #tpu.memory_space<vmem>>) semaphore(%arg11 : memref<!tpu.dma_semaphore, #tpu.memory_space<semaphore_mem>>)
    %dma_start3A_58 = arith.constant 64 : i32
    %dma_start3A_59 = arith.constant 0 : i32
    %dma_start3A_60 = tpu.memref_slice %arg8[%dma_start3A_58, %dma_start3A_59] : memref<128x384xf32, #tpu.memory_space<vmem>> -> memref<64x384xf32, #tpu.memory_space<vmem>>
    %dma_start3A_61 = arith.constant 0 : i32
    %dma_start3A_62 = arith.constant 0 : i32
    %dma_start3A_63 = tpu.memref_slice %arg2[%dma_start3A_61, %dma_start3A_62] : memref<65536x384xf32, #tpu.memory_space<hbm>> -> memref<65536x384xf32, #tpu.memory_space<hbm>>
    tpu.enqueue_indirect_dma source(%dma_start3A_63 : memref<65536x384xf32, #tpu.memory_space<hbm>>) target(%dma_start3A_60 : memref<64x384xf32, #tpu.memory_space<vmem>>) offsets(%arg7 : memref<64xi32, #tpu.memory_space<vmem>>) semaphore(%arg12 : memref<!tpu.dma_semaphore, #tpu.memory_space<semaphore_mem>>)
    %broadcast_in_dim3A = arith.constant 15 : i32
    "tpu.trace_stop"() : () -> ()
    %broadcast_in_dim3A_64 = vector.broadcast %broadcast_in_dim3A : i32 to vector<16xi32>
    "tpu.trace_start"() <{level = 10 : i32, message = "half0"}> : () -> ()
    %dma_wait3A = arith.constant 0 : i32
    %dma_wait3A_65 = arith.constant 0 : i32
    %dma_wait3A_66 = tpu.memref_slice %arg8[%dma_wait3A, %dma_wait3A_65] : memref<128x384xf32, #tpu.memory_space<vmem>> -> memref<64x384xf32, #tpu.memory_space<vmem>>
    %dma_wait3A_67 = arith.constant 0 : i32
    %dma_wait3A_68 = arith.constant 0 : i32
    %dma_wait3A_69 = tpu.memref_slice %arg2[%dma_wait3A_67, %dma_wait3A_68] : memref<65536x384xf32, #tpu.memory_space<hbm>> -> memref<65536x384xf32, #tpu.memory_space<hbm>>
    tpu.wait_indirect_dma semaphore(%arg11 : memref<!tpu.dma_semaphore, #tpu.memory_space<semaphore_mem>>) src(%dma_wait3A_69 : memref<65536x384xf32, #tpu.memory_space<hbm>>) dst(%dma_wait3A_66 : memref<64x384xf32, #tpu.memory_space<vmem>>)
    %scan3A = arith.constant 0 : i32
    %scan3A_70 = arith.constant 0 : i32
    %scan3A_71 = arith.constant 16 : i32
    %scan3A_72 = arith.addi %scan3A_70, %scan3A_71 : i32
    %scan3A_73 = arith.constant 1 : i32
    scf.for %scan3A_113 = %scan3A_70 to %scan3A_72 step %scan3A_73  : i32 {
      %mul3A_114 = arith.constant 4 : i32
      %mul3A_115 = arith.muli %scan3A_113, %mul3A_114 : i32
      %add3A_116 = arith.addi %scan3A, %mul3A_115 : i32
      %add3A_117 = arith.constant 0 : i32
      %add3A_118 = arith.addi %add3A_116, %add3A_117 : i32
      %mul3A_119 = arith.constant 4 : i32
      %mul3A_120 = arith.muli %scan3A_113, %mul3A_119 : i32
      %add3A_121 = arith.addi %scan3A, %mul3A_120 : i32
      %add3A_122 = arith.constant 1 : i32
      %add3A_123 = arith.addi %add3A_121, %add3A_122 : i32
      %mul3A_124 = arith.constant 4 : i32
      %mul3A_125 = arith.muli %scan3A_113, %mul3A_124 : i32
      %add3A_126 = arith.addi %scan3A, %mul3A_125 : i32
      %add3A_127 = arith.constant 2 : i32
      %add3A_128 = arith.addi %add3A_126, %add3A_127 : i32
      %mul3A_129 = arith.constant 4 : i32
      %mul3A_130 = arith.muli %scan3A_113, %mul3A_129 : i32
      %add3A_131 = arith.addi %scan3A, %mul3A_130 : i32
      %add3A_132 = arith.constant 3 : i32
      %add3A_133 = arith.addi %add3A_131, %add3A_132 : i32
      %get3A_134 = arith.index_cast %add3A_118 : i32 to index
      %get3A_135 = arith.constant 0 : index
      %get3A_136 = tpu.vector_load %arg8[%get3A_134, %get3A_135] {strides = array<i32>} : memref<128x384xf32, #tpu.memory_space<vmem>>, vector<16xf32>,
      %get3A_137 = arith.index_cast %add3A_118 : i32 to index
      %get3A_138 = arith.constant 16 : index
      %get3A_139 = tpu.vector_load %arg8[%get3A_137, %get3A_138] {strides = array<i32>} : memref<128x384xf32, #tpu.memory_space<vmem>>, vector<16xf32>,
      %get3A_140 = arith.index_cast %add3A_118 : i32 to index
      %get3A_141 = arith.constant 32 : index
      %get3A_142 = tpu.vector_load %arg8[%get3A_140, %get3A_141] {strides = array<i32>} : memref<128x384xf32, #tpu.memory_space<vmem>>, vector<16xf32>,
      %get3A_143 = arith.index_cast %add3A_118 : i32 to index
      %get3A_144 = arith.constant 48 : index
      %get3A_145 = tpu.vector_load %arg8[%get3A_143, %get3A_144] {strides = array<i32>} : memref<128x384xf32, #tpu.memory_space<vmem>>, vector<16xf32>,
      %get3A_146 = arith.index_cast %add3A_118 : i32 to index
      %get3A_147 = arith.constant 64 : index
      %get3A_148 = tpu.vector_load %arg8[%get3A_146, %get3A_147] {strides = array<i32>} : memref<128x384xf32, #tpu.memory_space<vmem>>, vector<16xf32>,
      %get3A_149 = arith.index_cast %add3A_118 : i32 to index
      %get3A_150 = arith.constant 80 : index
      %get3A_151 = tpu.vector_load %arg8[%get3A_149, %get3A_150] {strides = array<i32>} : memref<128x384xf32, #tpu.memory_space<vmem>>, vector<16xf32>,
      %get3A_152 = arith.index_cast %add3A_118 : i32 to index
      %get3A_153 = arith.constant 96 : index
      %get3A_154 = tpu.vector_load %arg8[%get3A_152, %get3A_153] {strides = array<i32>} : memref<128x384xf32, #tpu.memory_space<vmem>>, vector<16xf32>,
      %get3A_155 = arith.index_cast %add3A_118 : i32 to index
      %get3A_156 = arith.constant 112 : index
      %get3A_157 = tpu.vector_load %arg8[%get3A_155, %get3A_156] {strides = array<i32>} : memref<128x384xf32, #tpu.memory_space<vmem>>, vector<16xf32>,
      %get3A_158 = arith.index_cast %add3A_118 : i32 to index
      %get3A_159 = arith.constant 128 : index
      %get3A_160 = tpu.vector_load %arg8[%get3A_158, %get3A_159] {strides = array<i32>} : memref<128x384xf32, #tpu.memory_space<vmem>>, vector<16xf32>,
      %get3A_161 = arith.index_cast %add3A_118 : i32 to index
      %get3A_162 = arith.constant 144 : index
      %get3A_163 = tpu.vector_load %arg8[%get3A_161, %get3A_162] {strides = array<i32>} : memref<128x384xf32, #tpu.memory_space<vmem>>, vector<16xf32>,
      %get3A_164 = arith.index_cast %add3A_118 : i32 to index
      %get3A_165 = arith.constant 160 : index
      %get3A_166 = tpu.vector_load %arg8[%get3A_164, %get3A_165] {strides = array<i32>} : memref<128x384xf32, #tpu.memory_space<vmem>>, vector<16xf32>,
      %get3A_167 = arith.index_cast %add3A_118 : i32 to index
      %get3A_168 = arith.constant 176 : index
      %get3A_169 = tpu.vector_load %arg8[%get3A_167, %get3A_168] {strides = array<i32>} : memref<128x384xf32, #tpu.memory_space<vmem>>, vector<16xf32>,
      %mul3A_170 = arith.mulf %get3A_136, %get3A_136 : vector<16xf32>
      %mul3A_171 = arith.mulf %get3A_139, %get3A_139 : vector<16xf32>
      %add3A_172 = arith.addf %mul3A_170, %mul3A_171 : vector<16xf32>
      %mul3A_173 = arith.mulf %get3A_142, %get3A_142 : vector<16xf32>
      %add3A_174 = arith.addf %add3A_172, %mul3A_173 : vector<16xf32>
      %mul3A_175 = arith.mulf %get3A_145, %get3A_145 : vector<16xf32>
      %add3A_176 = arith.addf %add3A_174, %mul3A_175 : vector<16xf32>
      %mul3A_177 = arith.mulf %get3A_148, %get3A_148 : vector<16xf32>
      %add3A_178 = arith.addf %add3A_176, %mul3A_177 : vector<16xf32>
      %mul3A_179 = arith.mulf %get3A_151, %get3A_151 : vector<16xf32>
      %add3A_180 = arith.addf %add3A_178, %mul3A_179 : vector<16xf32>
      %mul3A_181 = arith.mulf %get3A_154, %get3A_154 : vector<16xf32>
      %add3A_182 = arith.addf %add3A_180, %mul3A_181 : vector<16xf32>
      %mul3A_183 = arith.mulf %get3A_157, %get3A_157 : vector<16xf32>
      %add3A_184 = arith.addf %add3A_182, %mul3A_183 : vector<16xf32>
      %mul3A_185 = arith.mulf %get3A_160, %get3A_160 : vector<16xf32>
      %add3A_186 = arith.addf %add3A_184, %mul3A_185 : vector<16xf32>
      %mul3A_187 = arith.mulf %get3A_163, %get3A_163 : vector<16xf32>
      %add3A_188 = arith.addf %add3A_186, %mul3A_187 : vector<16xf32>
      %mul3A_189 = arith.mulf %get3A_166, %get3A_166 : vector<16xf32>
      %add3A_190 = arith.addf %add3A_188, %mul3A_189 : vector<16xf32>
      %mul3A_191 = arith.mulf %get3A_169, %get3A_169 : vector<16xf32>
      %add3A_192 = arith.addf %add3A_190, %mul3A_191 : vector<16xf32>
      %broadcast_in_dim3A_193 = arith.constant true
      %broadcast_in_dim3A_194 = vector.broadcast %broadcast_in_dim3A_193 : i1 to vector<16xi1>
      %masked_cumsum3A = tpu.scan <sum>, %add3A_192 masked %broadcast_in_dim3A_194 : vector<16xf32>, vector<16xi1> -> vector<16xf32>
      %swap3A_195 = arith.index_cast %add3A_118 : i32 to index
      %swap3A_196 = arith.constant 0 : index
      %swap3A_197 = tpu.vector_load %arg9[%swap3A_195, %swap3A_196] {strides = array<i32>} : memref<128x16xf32, #tpu.memory_space<vmem>>, vector<16xf32>,
      tpu.vector_store %arg9[%swap3A_195, %swap3A_196], %masked_cumsum3A {strides = array<i32>} : memref<128x16xf32, #tpu.memory_space<vmem>>, vector<16xf32>,
      %get3A_198 = arith.index_cast %add3A_123 : i32 to index
      %get3A_199 = arith.constant 0 : index
      %get3A_200 = tpu.vector_load %arg8[%get3A_198, %get3A_199] {strides = array<i32>} : memref<128x384xf32, #tpu.memory_space<vmem>>, vector<16xf32>,
      %get3A_201 = arith.index_cast %add3A_123 : i32 to index
      %get3A_202 = arith.constant 16 : index
      %get3A_203 = tpu.vector_load %arg8[%get3A_201, %get3A_202] {strides = array<i32>} : memref<128x384xf32, #tpu.memory_space<vmem>>, vector<16xf32>,
      %get3A_204 = arith.index_cast %add3A_123 : i32 to index
      %get3A_205 = arith.constant 32 : index
      %get3A_206 = tpu.vector_load %arg8[%get3A_204, %get3A_205] {strides = array<i32>} : memref<128x384xf32, #tpu.memory_space<vmem>>, vector<16xf32>,
      %get3A_207 = arith.index_cast %add3A_123 : i32 to index
      %get3A_208 = arith.constant 48 : index
      %get3A_209 = tpu.vector_load %arg8[%get3A_207, %get3A_208] {strides = array<i32>} : memref<128x384xf32, #tpu.memory_space<vmem>>, vector<16xf32>,
      %get3A_210 = arith.index_cast %add3A_123 : i32 to index
      %get3A_211 = arith.constant 64 : index
      %get3A_212 = tpu.vector_load %arg8[%get3A_210, %get3A_211] {strides = array<i32>} : memref<128x384xf32, #tpu.memory_space<vmem>>, vector<16xf32>,
      %get3A_213 = arith.index_cast %add3A_123 : i32 to index
      %get3A_214 = arith.constant 80 : index
      %get3A_215 = tpu.vector_load %arg8[%get3A_213, %get3A_214] {strides = array<i32>} : memref<128x384xf32, #tpu.memory_space<vmem>>, vector<16xf32>,
      %get3A_216 = arith.index_cast %add3A_123 : i32 to index
      %get3A_217 = arith.constant 96 : index
      %get3A_218 = tpu.vector_load %arg8[%get3A_216, %get3A_217] {strides = array<i32>} : memref<128x384xf32, #tpu.memory_space<vmem>>, vector<16xf32>,
      %get3A_219 = arith.index_cast %add3A_123 : i32 to index
      %get3A_220 = arith.constant 112 : index
      %get3A_221 = tpu.vector_load %arg8[%get3A_219, %get3A_220] {strides = array<i32>} : memref<128x384xf32, #tpu.memory_space<vmem>>, vector<16xf32>,
      %get3A_222 = arith.index_cast %add3A_123 : i32 to index
      %get3A_223 = arith.constant 128 : index
      %get3A_224 = tpu.vector_load %arg8[%get3A_222, %get3A_223] {strides = array<i32>} : memref<128x384xf32, #tpu.memory_space<vmem>>, vector<16xf32>,
      %get3A_225 = arith.index_cast %add3A_123 : i32 to index
      %get3A_226 = arith.constant 144 : index
      %get3A_227 = tpu.vector_load %arg8[%get3A_225, %get3A_226] {strides = array<i32>} : memref<128x384xf32, #tpu.memory_space<vmem>>, vector<16xf32>,
      %get3A_228 = arith.index_cast %add3A_123 : i32 to index
      %get3A_229 = arith.constant 160 : index
      %get3A_230 = tpu.vector_load %arg8[%get3A_228, %get3A_229] {strides = array<i32>} : memref<128x384xf32, #tpu.memory_space<vmem>>, vector<16xf32>,
      %get3A_231 = arith.index_cast %add3A_123 : i32 to index
      %get3A_232 = arith.constant 176 : index
      %get3A_233 = tpu.vector_load %arg8[%get3A_231, %get3A_232] {strides = array<i32>} : memref<128x384xf32, #tpu.memory_space<vmem>>, vector<16xf32>,
      %mul3A_234 = arith.mulf %get3A_200, %get3A_200 : vector<16xf32>
      %mul3A_235 = arith.mulf %get3A_203, %get3A_203 : vector<16xf32>
      %add3A_236 = arith.addf %mul3A_234, %mul3A_235 : vector<16xf32>
      %mul3A_237 = arith.mulf %get3A_206, %get3A_206 : vector<16xf32>
      %add3A_238 = arith.addf %add3A_236, %mul3A_237 : vector<16xf32>
      %mul3A_239 = arith.mulf %get3A_209, %get3A_209 : vector<16xf32>
      %add3A_240 = arith.addf %add3A_238, %mul3A_239 : vector<16xf32>
      %mul3A_241 = arith.mulf %get3A_212, %get3A_212 : vector<16xf32>
      %add3A_242 = arith.addf %add3A_240, %mul3A_241 : vector<16xf32>
      %mul3A_243 = arith.mulf %get3A_215, %get3A_215 : vector<16xf32>
      %add3A_244 = arith.addf %add3A_242, %mul3A_243 : vector<16xf32>
      %mul3A_245 = arith.mulf %get3A_218, %get3A_218 : vector<16xf32>
      %add3A_246 = arith.addf %add3A_244, %mul3A_245 : vector<16xf32>
      %mul3A_247 = arith.mulf %get3A_221, %get3A_221 : vector<16xf32>
      %add3A_248 = arith.addf %add3A_246, %mul3A_247 : vector<16xf32>
      %mul3A_249 = arith.mulf %get3A_224, %get3A_224 : vector<16xf32>
      %add3A_250 = arith.addf %add3A_248, %mul3A_249 : vector<16xf32>
      %mul3A_251 = arith.mulf %get3A_227, %get3A_227 : vector<16xf32>
      %add3A_252 = arith.addf %add3A_250, %mul3A_251 : vector<16xf32>
      %mul3A_253 = arith.mulf %get3A_230, %get3A_230 : vector<16xf32>
      %add3A_254 = arith.addf %add3A_252, %mul3A_253 : vector<16xf32>
      %mul3A_255 = arith.mulf %get3A_233, %get3A_233 : vector<16xf32>
      %add3A_256 = arith.addf %add3A_254, %mul3A_255 : vector<16xf32>
      %broadcast_in_dim3A_257 = arith.constant true
      %broadcast_in_dim3A_258 = vector.broadcast %broadcast_in_dim3A_257 : i1 to vector<16xi1>
      %masked_cumsum3A_259 = tpu.scan <sum>, %add3A_256 masked %broadcast_in_dim3A_258 : vector<16xf32>, vector<16xi1> -> vector<16xf32>
      %swap3A_260 = arith.index_cast %add3A_123 : i32 to index
      %swap3A_261 = arith.constant 0 : index
      %swap3A_262 = tpu.vector_load %arg9[%swap3A_260, %swap3A_261] {strides = array<i32>} : memref<128x16xf32, #tpu.memory_space<vmem>>, vector<16xf32>,
      tpu.vector_store %arg9[%swap3A_260, %swap3A_261], %masked_cumsum3A_259 {strides = array<i32>} : memref<128x16xf32, #tpu.memory_space<vmem>>, vector<16xf32>,
      %get3A_263 = arith.index_cast %add3A_128 : i32 to index
      %get3A_264 = arith.constant 0 : index
      %get3A_265 = tpu.vector_load %arg8[%get3A_263, %get3A_264] {strides = array<i32>} : memref<128x384xf32, #tpu.memory_space<vmem>>, vector<16xf32>,
      %get3A_266 = arith.index_cast %add3A_128 : i32 to index
      %get3A_267 = arith.constant 16 : index
      %get3A_268 = tpu.vector_load %arg8[%get3A_266, %get3A_267] {strides = array<i32>} : memref<128x384xf32, #tpu.memory_space<vmem>>, vector<16xf32>,
      %get3A_269 = arith.index_cast %add3A_128 : i32 to index
      %get3A_270 = arith.constant 32 : index
      %get3A_271 = tpu.vector_load %arg8[%get3A_269, %get3A_270] {strides = array<i32>} : memref<128x384xf32, #tpu.memory_space<vmem>>, vector<16xf32>,
      %get3A_272 = arith.index_cast %add3A_128 : i32 to index
      %get3A_273 = arith.constant 48 : index
      %get3A_274 = tpu.vector_load %arg8[%get3A_272, %get3A_273] {strides = array<i32>} : memref<128x384xf32, #tpu.memory_space<vmem>>, vector<16xf32>,
      %get3A_275 = arith.index_cast %add3A_128 : i32 to index
      %get3A_276 = arith.constant 64 : index
      %get3A_277 = tpu.vector_load %arg8[%get3A_275, %get3A_276] {strides = array<i32>} : memref<128x384xf32, #tpu.memory_space<vmem>>, vector<16xf32>,
      %get3A_278 = arith.index_cast %add3A_128 : i32 to index
      %get3A_279 = arith.constant 80 : index
      %get3A_280 = tpu.vector_load %arg8[%get3A_278, %get3A_279] {strides = array<i32>} : memref<128x384xf32, #tpu.memory_space<vmem>>, vector<16xf32>,
      %get3A_281 = arith.index_cast %add3A_128 : i32 to index
      %get3A_282 = arith.constant 96 : index
      %get3A_283 = tpu.vector_load %arg8[%get3A_281, %get3A_282] {strides = array<i32>} : memref<128x384xf32, #tpu.memory_space<vmem>>, vector<16xf32>,
      %get3A_284 = arith.index_cast %add3A_128 : i32 to index
      %get3A_285 = arith.constant 112 : index
      %get3A_286 = tpu.vector_load %arg8[%get3A_284, %get3A_285] {strides = array<i32>} : memref<128x384xf32, #tpu.memory_space<vmem>>, vector<16xf32>,
      %get3A_287 = arith.index_cast %add3A_128 : i32 to index
      %get3A_288 = arith.constant 128 : index
      %get3A_289 = tpu.vector_load %arg8[%get3A_287, %get3A_288] {strides = array<i32>} : memref<128x384xf32, #tpu.memory_space<vmem>>, vector<16xf32>,
      %get3A_290 = arith.index_cast %add3A_128 : i32 to index
      %get3A_291 = arith.constant 144 : index
      %get3A_292 = tpu.vector_load %arg8[%get3A_290, %get3A_291] {strides = array<i32>} : memref<128x384xf32, #tpu.memory_space<vmem>>, vector<16xf32>,
      %get3A_293 = arith.index_cast %add3A_128 : i32 to index
      %get3A_294 = arith.constant 160 : index
      %get3A_295 = tpu.vector_load %arg8[%get3A_293, %get3A_294] {strides = array<i32>} : memref<128x384xf32, #tpu.memory_space<vmem>>, vector<16xf32>,
      %get3A_296 = arith.index_cast %add3A_128 : i32 to index
      %get3A_297 = arith.constant 176 : index
      %get3A_298 = tpu.vector_load %arg8[%get3A_296, %get3A_297] {strides = array<i32>} : memref<128x384xf32, #tpu.memory_space<vmem>>, vector<16xf32>,
      %mul3A_299 = arith.mulf %get3A_265, %get3A_265 : vector<16xf32>
      %mul3A_300 = arith.mulf %get3A_268, %get3A_268 : vector<16xf32>
      %add3A_301 = arith.addf %mul3A_299, %mul3A_300 : vector<16xf32>
      %mul3A_302 = arith.mulf %get3A_271, %get3A_271 : vector<16xf32>
      %add3A_303 = arith.addf %add3A_301, %mul3A_302 : vector<16xf32>
      %mul3A_304 = arith.mulf %get3A_274, %get3A_274 : vector<16xf32>
      %add3A_305 = arith.addf %add3A_303, %mul3A_304 : vector<16xf32>
      %mul3A_306 = arith.mulf %get3A_277, %get3A_277 : vector<16xf32>
      %add3A_307 = arith.addf %add3A_305, %mul3A_306 : vector<16xf32>
      %mul3A_308 = arith.mulf %get3A_280, %get3A_280 : vector<16xf32>
      %add3A_309 = arith.addf %add3A_307, %mul3A_308 : vector<16xf32>
      %mul3A_310 = arith.mulf %get3A_283, %get3A_283 : vector<16xf32>
      %add3A_311 = arith.addf %add3A_309, %mul3A_310 : vector<16xf32>
      %mul3A_312 = arith.mulf %get3A_286, %get3A_286 : vector<16xf32>
      %add3A_313 = arith.addf %add3A_311, %mul3A_312 : vector<16xf32>
      %mul3A_314 = arith.mulf %get3A_289, %get3A_289 : vector<16xf32>
      %add3A_315 = arith.addf %add3A_313, %mul3A_314 : vector<16xf32>
      %mul3A_316 = arith.mulf %get3A_292, %get3A_292 : vector<16xf32>
      %add3A_317 = arith.addf %add3A_315, %mul3A_316 : vector<16xf32>
      %mul3A_318 = arith.mulf %get3A_295, %get3A_295 : vector<16xf32>
      %add3A_319 = arith.addf %add3A_317, %mul3A_318 : vector<16xf32>
      %mul3A_320 = arith.mulf %get3A_298, %get3A_298 : vector<16xf32>
      %add3A_321 = arith.addf %add3A_319, %mul3A_320 : vector<16xf32>
      %broadcast_in_dim3A_322 = arith.constant true
      %broadcast_in_dim3A_323 = vector.broadcast %broadcast_in_dim3A_322 : i1 to vector<16xi1>
      %masked_cumsum3A_324 = tpu.scan <sum>, %add3A_321 masked %broadcast_in_dim3A_323 : vector<16xf32>, vector<16xi1> -> vector<16xf32>
      %swap3A_325 = arith.index_cast %add3A_128 : i32 to index
      %swap3A_326 = arith.constant 0 : index
      %swap3A_327 = tpu.vector_load %arg9[%swap3A_325, %swap3A_326] {strides = array<i32>} : memref<128x16xf32, #tpu.memory_space<vmem>>, vector<16xf32>,
      tpu.vector_store %arg9[%swap3A_325, %swap3A_326], %masked_cumsum3A_324 {strides = array<i32>} : memref<128x16xf32, #tpu.memory_space<vmem>>, vector<16xf32>,
      %get3A_328 = arith.index_cast %add3A_133 : i32 to index
      %get3A_329 = arith.constant 0 : index
      %get3A_330 = tpu.vector_load %arg8[%get3A_328, %get3A_329] {strides = array<i32>} : memref<128x384xf32, #tpu.memory_space<vmem>>, vector<16xf32>,
      %get3A_331 = arith.index_cast %add3A_133 : i32 to index
      %get3A_332 = arith.constant 16 : index
      %get3A_333 = tpu.vector_load %arg8[%get3A_331, %get3A_332] {strides = array<i32>} : memref<128x384xf32, #tpu.memory_space<vmem>>, vector<16xf32>,
      %get3A_334 = arith.index_cast %add3A_133 : i32 to index
      %get3A_335 = arith.constant 32 : index
      %get3A_336 = tpu.vector_load %arg8[%get3A_334, %get3A_335] {strides = array<i32>} : memref<128x384xf32, #tpu.memory_space<vmem>>, vector<16xf32>,
      %get3A_337 = arith.index_cast %add3A_133 : i32 to index
      %get3A_338 = arith.constant 48 : index
      %get3A_339 = tpu.vector_load %arg8[%get3A_337, %get3A_338] {strides = array<i32>} : memref<128x384xf32, #tpu.memory_space<vmem>>, vector<16xf32>,
      %get3A_340 = arith.index_cast %add3A_133 : i32 to index
      %get3A_341 = arith.constant 64 : index
      %get3A_342 = tpu.vector_load %arg8[%get3A_340, %get3A_341] {strides = array<i32>} : memref<128x384xf32, #tpu.memory_space<vmem>>, vector<16xf32>,
      %get3A_343 = arith.index_cast %add3A_133 : i32 to index
      %get3A_344 = arith.constant 80 : index
      %get3A_345 = tpu.vector_load %arg8[%get3A_343, %get3A_344] {strides = array<i32>} : memref<128x384xf32, #tpu.memory_space<vmem>>, vector<16xf32>,
      %get3A_346 = arith.index_cast %add3A_133 : i32 to index
      %get3A_347 = arith.constant 96 : index
      %get3A_348 = tpu.vector_load %arg8[%get3A_346, %get3A_347] {strides = array<i32>} : memref<128x384xf32, #tpu.memory_space<vmem>>, vector<16xf32>,
      %get3A_349 = arith.index_cast %add3A_133 : i32 to index
      %get3A_350 = arith.constant 112 : index
      %get3A_351 = tpu.vector_load %arg8[%get3A_349, %get3A_350] {strides = array<i32>} : memref<128x384xf32, #tpu.memory_space<vmem>>, vector<16xf32>,
      %get3A_352 = arith.index_cast %add3A_133 : i32 to index
      %get3A_353 = arith.constant 128 : index
      %get3A_354 = tpu.vector_load %arg8[%get3A_352, %get3A_353] {strides = array<i32>} : memref<128x384xf32, #tpu.memory_space<vmem>>, vector<16xf32>,
      %get3A_355 = arith.index_cast %add3A_133 : i32 to index
      %get3A_356 = arith.constant 144 : index
      %get3A_357 = tpu.vector_load %arg8[%get3A_355, %get3A_356] {strides = array<i32>} : memref<128x384xf32, #tpu.memory_space<vmem>>, vector<16xf32>,
      %get3A_358 = arith.index_cast %add3A_133 : i32 to index
      %get3A_359 = arith.constant 160 : index
      %get3A_360 = tpu.vector_load %arg8[%get3A_358, %get3A_359] {strides = array<i32>} : memref<128x384xf32, #tpu.memory_space<vmem>>, vector<16xf32>,
      %get3A_361 = arith.index_cast %add3A_133 : i32 to index
      %get3A_362 = arith.constant 176 : index
      %get3A_363 = tpu.vector_load %arg8[%get3A_361, %get3A_362] {strides = array<i32>} : memref<128x384xf32, #tpu.memory_space<vmem>>, vector<16xf32>,
      %mul3A_364 = arith.mulf %get3A_330, %get3A_330 : vector<16xf32>
      %mul3A_365 = arith.mulf %get3A_333, %get3A_333 : vector<16xf32>
      %add3A_366 = arith.addf %mul3A_364, %mul3A_365 : vector<16xf32>
      %mul3A_367 = arith.mulf %get3A_336, %get3A_336 : vector<16xf32>
      %add3A_368 = arith.addf %add3A_366, %mul3A_367 : vector<16xf32>
      %mul3A_369 = arith.mulf %get3A_339, %get3A_339 : vector<16xf32>
      %add3A_370 = arith.addf %add3A_368, %mul3A_369 : vector<16xf32>
      %mul3A_371 = arith.mulf %get3A_342, %get3A_342 : vector<16xf32>
      %add3A_372 = arith.addf %add3A_370, %mul3A_371 : vector<16xf32>
      %mul3A_373 = arith.mulf %get3A_345, %get3A_345 : vector<16xf32>
      %add3A_374 = arith.addf %add3A_372, %mul3A_373 : vector<16xf32>
      %mul3A_375 = arith.mulf %get3A_348, %get3A_348 : vector<16xf32>
      %add3A_376 = arith.addf %add3A_374, %mul3A_375 : vector<16xf32>
      %mul3A_377 = arith.mulf %get3A_351, %get3A_351 : vector<16xf32>
      %add3A_378 = arith.addf %add3A_376, %mul3A_377 : vector<16xf32>
      %mul3A_379 = arith.mulf %get3A_354, %get3A_354 : vector<16xf32>
      %add3A_380 = arith.addf %add3A_378, %mul3A_379 : vector<16xf32>
      %mul3A_381 = arith.mulf %get3A_357, %get3A_357 : vector<16xf32>
      %add3A_382 = arith.addf %add3A_380, %mul3A_381 : vector<16xf32>
      %mul3A_383 = arith.mulf %get3A_360, %get3A_360 : vector<16xf32>
      %add3A_384 = arith.addf %add3A_382, %mul3A_383 : vector<16xf32>
      %mul3A_385 = arith.mulf %get3A_363, %get3A_363 : vector<16xf32>
      %add3A_386 = arith.addf %add3A_384, %mul3A_385 : vector<16xf32>
      %broadcast_in_dim3A_387 = arith.constant true
      %broadcast_in_dim3A_388 = vector.broadcast %broadcast_in_dim3A_387 : i1 to vector<16xi1>
      %masked_cumsum3A_389 = tpu.scan <sum>, %add3A_386 masked %broadcast_in_dim3A_388 : vector<16xf32>, vector<16xi1> -> vector<16xf32>
      %swap3A_390 = arith.index_cast %add3A_133 : i32 to index
      %swap3A_391 = arith.constant 0 : index
      %swap3A_392 = tpu.vector_load %arg9[%swap3A_390, %swap3A_391] {strides = array<i32>} : memref<128x16xf32, #tpu.memory_space<vmem>>, vector<16xf32>,
      tpu.vector_store %arg9[%swap3A_390, %swap3A_391], %masked_cumsum3A_389 {strides = array<i32>} : memref<128x16xf32, #tpu.memory_space<vmem>>, vector<16xf32>,
      %broadcast_in_dim3A_393 = vector.broadcast %add3A_118 : i32 to vector<16xi32>
      %gather3A = tpu.vector_load_idx %arg9[%broadcast_in_dim3A_393, %broadcast_in_dim3A_64] : memref<128x16xf32, #tpu.memory_space<vmem>>[vector<16xi32>, vector<16xi32>], vector<16xf32>,
      %bitcast3A = vector.bitcast %gather3A : vector<16xf32> to vector<16xi32>
      %shift_right_arithmetic3A = arith.constant 1 : i32
      %shift_right_arithmetic3A_394 = vector.broadcast %shift_right_arithmetic3A : i32 to vector<16xi32>
      %shift_right_arithmetic3A_395 = arith.shrsi %bitcast3A, %shift_right_arithmetic3A_394 : vector<16xi32>
      %sub3A = arith.constant 1597463007 : i32
      %sub3A_396 = vector.broadcast %sub3A : i32 to vector<16xi32>
      %sub3A_397 = arith.subi %sub3A_396, %shift_right_arithmetic3A_395 : vector<16xi32>
      %bitcast3A_398 = vector.bitcast %sub3A_397 : vector<16xi32> to vector<16xf32>
      %mul3A_399 = arith.constant 5.000000e-01 : f32
      %mul3A_400 = vector.broadcast %mul3A_399 : f32 to vector<16xf32>
      %mul3A_401 = arith.mulf %gather3A, %mul3A_400 : vector<16xf32>
      %mul3A_402 = arith.mulf %mul3A_401, %bitcast3A_398 : vector<16xf32>
      %mul3A_403 = arith.mulf %mul3A_402, %bitcast3A_398 : vector<16xf32>
      %sub3A_404 = arith.constant 1.500000e+00 : f32
      %sub3A_405 = vector.broadcast %sub3A_404 : f32 to vector<16xf32>
      %sub3A_406 = arith.subf %sub3A_405, %mul3A_403 : vector<16xf32>
      %mul3A_407 = arith.mulf %bitcast3A_398, %sub3A_406 : vector<16xf32>
      %mul3A_408 = arith.mulf %mul3A_401, %mul3A_407 : vector<16xf32>
      %mul3A_409 = arith.mulf %mul3A_408, %mul3A_407 : vector<16xf32>
      %sub3A_410 = arith.constant 1.500000e+00 : f32
      %sub3A_411 = vector.broadcast %sub3A_410 : f32 to vector<16xf32>
      %sub3A_412 = arith.subf %sub3A_411, %mul3A_409 : vector<16xf32>
      %mul3A_413 = arith.mulf %mul3A_407, %sub3A_412 : vector<16xf32>
      %mul3A_414 = arith.mulf %gather3A, %mul3A_413 : vector<16xf32>
      %add3A_415 = arith.constant 1.000000e-07 : f32
      %add3A_416 = vector.broadcast %add3A_415 : f32 to vector<16xf32>
      %add3A_417 = arith.addf %mul3A_414, %add3A_416 : vector<16xf32>
      %div3A_418 = arith.constant 1.000000e+00 : f32
      %div3A_419 = vector.broadcast %div3A_418 : f32 to vector<16xf32>
      %div3A_420 = arith.divf %div3A_419, %add3A_417 : vector<16xf32>
      %broadcast_in_dim3A_421 = vector.broadcast %add3A_123 : i32 to vector<16xi32>
      %gather3A_422 = tpu.vector_load_idx %arg9[%broadcast_in_dim3A_421, %broadcast_in_dim3A_64] : memref<128x16xf32, #tpu.memory_space<vmem>>[vector<16xi32>, vector<16xi32>], vector<16xf32>,
      %bitcast3A_423 = vector.bitcast %gather3A_422 : vector<16xf32> to vector<16xi32>
      %shift_right_arithmetic3A_424 = arith.constant 1 : i32
      %shift_right_arithmetic3A_425 = vector.broadcast %shift_right_arithmetic3A_424 : i32 to vector<16xi32>
      %shift_right_arithmetic3A_426 = arith.shrsi %bitcast3A_423, %shift_right_arithmetic3A_425 : vector<16xi32>
      %sub3A_427 = arith.constant 1597463007 : i32
      %sub3A_428 = vector.broadcast %sub3A_427 : i32 to vector<16xi32>
      %sub3A_429 = arith.subi %sub3A_428, %shift_right_arithmetic3A_426 : vector<16xi32>
      %bitcast3A_430 = vector.bitcast %sub3A_429 : vector<16xi32> to vector<16xf32>
      %mul3A_431 = arith.constant 5.000000e-01 : f32
      %mul3A_432 = vector.broadcast %mul3A_431 : f32 to vector<16xf32>
      %mul3A_433 = arith.mulf %gather3A_422, %mul3A_432 : vector<16xf32>
      %mul3A_434 = arith.mulf %mul3A_433, %bitcast3A_430 : vector<16xf32>
      %mul3A_435 = arith.mulf %mul3A_434, %bitcast3A_430 : vector<16xf32>
      %sub3A_436 = arith.constant 1.500000e+00 : f32
      %sub3A_437 = vector.broadcast %sub3A_436 : f32 to vector<16xf32>
      %sub3A_438 = arith.subf %sub3A_437, %mul3A_435 : vector<16xf32>
      %mul3A_439 = arith.mulf %bitcast3A_430, %sub3A_438 : vector<16xf32>
      %mul3A_440 = arith.mulf %mul3A_433, %mul3A_439 : vector<16xf32>
      %mul3A_441 = arith.mulf %mul3A_440, %mul3A_439 : vector<16xf32>
      %sub3A_442 = arith.constant 1.500000e+00 : f32
      %sub3A_443 = vector.broadcast %sub3A_442 : f32 to vector<16xf32>
      %sub3A_444 = arith.subf %sub3A_443, %mul3A_441 : vector<16xf32>
      %mul3A_445 = arith.mulf %mul3A_439, %sub3A_444 : vector<16xf32>
      %mul3A_446 = arith.mulf %gather3A_422, %mul3A_445 : vector<16xf32>
      %add3A_447 = arith.constant 1.000000e-07 : f32
      %add3A_448 = vector.broadcast %add3A_447 : f32 to vector<16xf32>
      %add3A_449 = arith.addf %mul3A_446, %add3A_448 : vector<16xf32>
      %div3A_450 = arith.constant 1.000000e+00 : f32
      %div3A_451 = vector.broadcast %div3A_450 : f32 to vector<16xf32>
      %div3A_452 = arith.divf %div3A_451, %add3A_449 : vector<16xf32>
      %broadcast_in_dim3A_453 = vector.broadcast %add3A_128 : i32 to vector<16xi32>
      %gather3A_454 = tpu.vector_load_idx %arg9[%broadcast_in_dim3A_453, %broadcast_in_dim3A_64] : memref<128x16xf32, #tpu.memory_space<vmem>>[vector<16xi32>, vector<16xi32>], vector<16xf32>,
      %bitcast3A_455 = vector.bitcast %gather3A_454 : vector<16xf32> to vector<16xi32>
      %shift_right_arithmetic3A_456 = arith.constant 1 : i32
      %shift_right_arithmetic3A_457 = vector.broadcast %shift_right_arithmetic3A_456 : i32 to vector<16xi32>
      %shift_right_arithmetic3A_458 = arith.shrsi %bitcast3A_455, %shift_right_arithmetic3A_457 : vector<16xi32>
      %sub3A_459 = arith.constant 1597463007 : i32
      %sub3A_460 = vector.broadcast %sub3A_459 : i32 to vector<16xi32>
      %sub3A_461 = arith.subi %sub3A_460, %shift_right_arithmetic3A_458 : vector<16xi32>
      %bitcast3A_462 = vector.bitcast %sub3A_461 : vector<16xi32> to vector<16xf32>
      %mul3A_463 = arith.constant 5.000000e-01 : f32
      %mul3A_464 = vector.broadcast %mul3A_463 : f32 to vector<16xf32>
      %mul3A_465 = arith.mulf %gather3A_454, %mul3A_464 : vector<16xf32>
      %mul3A_466 = arith.mulf %mul3A_465, %bitcast3A_462 : vector<16xf32>
      %mul3A_467 = arith.mulf %mul3A_466, %bitcast3A_462 : vector<16xf32>
      %sub3A_468 = arith.constant 1.500000e+00 : f32
      %sub3A_469 = vector.broadcast %sub3A_468 : f32 to vector<16xf32>
      %sub3A_470 = arith.subf %sub3A_469, %mul3A_467 : vector<16xf32>
      %mul3A_471 = arith.mulf %bitcast3A_462, %sub3A_470 : vector<16xf32>
      %mul3A_472 = arith.mulf %mul3A_465, %mul3A_471 : vector<16xf32>
      %mul3A_473 = arith.mulf %mul3A_472, %mul3A_471 : vector<16xf32>
      %sub3A_474 = arith.constant 1.500000e+00 : f32
      %sub3A_475 = vector.broadcast %sub3A_474 : f32 to vector<16xf32>
      %sub3A_476 = arith.subf %sub3A_475, %mul3A_473 : vector<16xf32>
      %mul3A_477 = arith.mulf %mul3A_471, %sub3A_476 : vector<16xf32>
      %mul3A_478 = arith.mulf %gather3A_454, %mul3A_477 : vector<16xf32>
      %add3A_479 = arith.constant 1.000000e-07 : f32
      %add3A_480 = vector.broadcast %add3A_479 : f32 to vector<16xf32>
      %add3A_481 = arith.addf %mul3A_478, %add3A_480 : vector<16xf32>
      %div3A_482 = arith.constant 1.000000e+00 : f32
      %div3A_483 = vector.broadcast %div3A_482 : f32 to vector<16xf32>
      %div3A_484 = arith.divf %div3A_483, %add3A_481 : vector<16xf32>
      %broadcast_in_dim3A_485 = vector.broadcast %add3A_133 : i32 to vector<16xi32>
      %gather3A_486 = tpu.vector_load_idx %arg9[%broadcast_in_dim3A_485, %broadcast_in_dim3A_64] : memref<128x16xf32, #tpu.memory_space<vmem>>[vector<16xi32>, vector<16xi32>], vector<16xf32>,
      %bitcast3A_487 = vector.bitcast %gather3A_486 : vector<16xf32> to vector<16xi32>
      %shift_right_arithmetic3A_488 = arith.constant 1 : i32
      %shift_right_arithmetic3A_489 = vector.broadcast %shift_right_arithmetic3A_488 : i32 to vector<16xi32>
      %shift_right_arithmetic3A_490 = arith.shrsi %bitcast3A_487, %shift_right_arithmetic3A_489 : vector<16xi32>
      %sub3A_491 = arith.constant 1597463007 : i32
      %sub3A_492 = vector.broadcast %sub3A_491 : i32 to vector<16xi32>
      %sub3A_493 = arith.subi %sub3A_492, %shift_right_arithmetic3A_490 : vector<16xi32>
      %bitcast3A_494 = vector.bitcast %sub3A_493 : vector<16xi32> to vector<16xf32>
      %mul3A_495 = arith.constant 5.000000e-01 : f32
      %mul3A_496 = vector.broadcast %mul3A_495 : f32 to vector<16xf32>
      %mul3A_497 = arith.mulf %gather3A_486, %mul3A_496 : vector<16xf32>
      %mul3A_498 = arith.mulf %mul3A_497, %bitcast3A_494 : vector<16xf32>
      %mul3A_499 = arith.mulf %mul3A_498, %bitcast3A_494 : vector<16xf32>
      %sub3A_500 = arith.constant 1.500000e+00 : f32
      %sub3A_501 = vector.broadcast %sub3A_500 : f32 to vector<16xf32>
      %sub3A_502 = arith.subf %sub3A_501, %mul3A_499 : vector<16xf32>
      %mul3A_503 = arith.mulf %bitcast3A_494, %sub3A_502 : vector<16xf32>
      %mul3A_504 = arith.mulf %mul3A_497, %mul3A_503 : vector<16xf32>
      %mul3A_505 = arith.mulf %mul3A_504, %mul3A_503 : vector<16xf32>
      %sub3A_506 = arith.constant 1.500000e+00 : f32
      %sub3A_507 = vector.broadcast %sub3A_506 : f32 to vector<16xf32>
      %sub3A_508 = arith.subf %sub3A_507, %mul3A_505 : vector<16xf32>
      %mul3A_509 = arith.mulf %mul3A_503, %sub3A_508 : vector<16xf32>
      %mul3A_510 = arith.mulf %gather3A_486, %mul3A_509 : vector<16xf32>
      %add3A_511 = arith.constant 1.000000e-07 : f32
      %add3A_512 = vector.broadcast %add3A_511 : f32 to vector<16xf32>
      %add3A_513 = arith.addf %mul3A_510, %add3A_512 : vector<16xf32>
      %div3A_514 = arith.constant 1.000000e+00 : f32
      %div3A_515 = vector.broadcast %div3A_514 : f32 to vector<16xf32>
      %div3A_516 = arith.divf %div3A_515, %add3A_513 : vector<16xf32>
      %mul3A_517 = arith.mulf %get3A_136, %div3A_420 : vector<16xf32>
      %swap3A_518 = arith.index_cast %add3A_118 : i32 to index
      %swap3A_519 = arith.constant 0 : index
      %swap3A_520 = tpu.vector_load %arg10[%swap3A_518, %swap3A_519] {strides = array<i32>} : memref<128x256xf32, #tpu.memory_space<vmem>>, vector<16xf32>,
      tpu.vector_store %arg10[%swap3A_518, %swap3A_519], %mul3A_517 {strides = array<i32>} : memref<128x256xf32, #tpu.memory_space<vmem>>, vector<16xf32>,
      %mul3A_521 = arith.mulf %get3A_139, %div3A_420 : vector<16xf32>
      %swap3A_522 = arith.index_cast %add3A_118 : i32 to index
      %swap3A_523 = arith.constant 16 : index
      %swap3A_524 = tpu.vector_load %arg10[%swap3A_522, %swap3A_523] {strides = array<i32>} : memref<128x256xf32, #tpu.memory_space<vmem>>, vector<16xf32>,
      tpu.vector_store %arg10[%swap3A_522, %swap3A_523], %mul3A_521 {strides = array<i32>} : memref<128x256xf32, #tpu.memory_space<vmem>>, vector<16xf32>,
      %mul3A_525 = arith.mulf %get3A_142, %div3A_420 : vector<16xf32>
      %swap3A_526 = arith.index_cast %add3A_118 : i32 to index
      %swap3A_527 = arith.constant 32 : index
      %swap3A_528 = tpu.vector_load %arg10[%swap3A_526, %swap3A_527] {strides = array<i32>} : memref<128x256xf32, #tpu.memory_space<vmem>>, vector<16xf32>,
      tpu.vector_store %arg10[%swap3A_526, %swap3A_527], %mul3A_525 {strides = array<i32>} : memref<128x256xf32, #tpu.memory_space<vmem>>, vector<16xf32>,
      %mul3A_529 = arith.mulf %get3A_145, %div3A_420 : vector<16xf32>
      %swap3A_530 = arith.index_cast %add3A_118 : i32 to index
      %swap3A_531 = arith.constant 48 : index
      %swap3A_532 = tpu.vector_load %arg10[%swap3A_530, %swap3A_531] {strides = array<i32>} : memref<128x256xf32, #tpu.memory_space<vmem>>, vector<16xf32>,
      tpu.vector_store %arg10[%swap3A_530, %swap3A_531], %mul3A_529 {strides = array<i32>} : memref<128x256xf32, #tpu.memory_space<vmem>>, vector<16xf32>,
      %mul3A_533 = arith.mulf %get3A_148, %div3A_420 : vector<16xf32>
      %swap3A_534 = arith.index_cast %add3A_118 : i32 to index
      %swap3A_535 = arith.constant 64 : index
      %swap3A_536 = tpu.vector_load %arg10[%swap3A_534, %swap3A_535] {strides = array<i32>} : memref<128x256xf32, #tpu.memory_space<vmem>>, vector<16xf32>,
      tpu.vector_store %arg10[%swap3A_534, %swap3A_535], %mul3A_533 {strides = array<i32>} : memref<128x256xf32, #tpu.memory_space<vmem>>, vector<16xf32>,
      %mul3A_537 = arith.mulf %get3A_151, %div3A_420 : vector<16xf32>
      %swap3A_538 = arith.index_cast %add3A_118 : i32 to index
      %swap3A_539 = arith.constant 80 : index
      %swap3A_540 = tpu.vector_load %arg10[%swap3A_538, %swap3A_539] {strides = array<i32>} : memref<128x256xf32, #tpu.memory_space<vmem>>, vector<16xf32>,
      tpu.vector_store %arg10[%swap3A_538, %swap3A_539], %mul3A_537 {strides = array<i32>} : memref<128x256xf32, #tpu.memory_space<vmem>>, vector<16xf32>,
      %mul3A_541 = arith.mulf %get3A_154, %div3A_420 : vector<16xf32>
      %swap3A_542 = arith.index_cast %add3A_118 : i32 to index
      %swap3A_543 = arith.constant 96 : index
      %swap3A_544 = tpu.vector_load %arg10[%swap3A_542, %swap3A_543] {strides = array<i32>} : memref<128x256xf32, #tpu.memory_space<vmem>>, vector<16xf32>,
      tpu.vector_store %arg10[%swap3A_542, %swap3A_543], %mul3A_541 {strides = array<i32>} : memref<128x256xf32, #tpu.memory_space<vmem>>, vector<16xf32>,
      %mul3A_545 = arith.mulf %get3A_157, %div3A_420 : vector<16xf32>
      %swap3A_546 = arith.index_cast %add3A_118 : i32 to index
      %swap3A_547 = arith.constant 112 : index
      %swap3A_548 = tpu.vector_load %arg10[%swap3A_546, %swap3A_547] {strides = array<i32>} : memref<128x256xf32, #tpu.memory_space<vmem>>, vector<16xf32>,
      tpu.vector_store %arg10[%swap3A_546, %swap3A_547], %mul3A_545 {strides = array<i32>} : memref<128x256xf32, #tpu.memory_space<vmem>>, vector<16xf32>,
      %mul3A_549 = arith.mulf %get3A_160, %div3A_420 : vector<16xf32>
      %swap3A_550 = arith.index_cast %add3A_118 : i32 to index
      %swap3A_551 = arith.constant 128 : index
      %swap3A_552 = tpu.vector_load %arg10[%swap3A_550, %swap3A_551] {strides = array<i32>} : memref<128x256xf32, #tpu.memory_space<vmem>>, vector<16xf32>,
      tpu.vector_store %arg10[%swap3A_550, %swap3A_551], %mul3A_549 {strides = array<i32>} : memref<128x256xf32, #tpu.memory_space<vmem>>, vector<16xf32>,
      %mul3A_553 = arith.mulf %get3A_163, %div3A_420 : vector<16xf32>
      %swap3A_554 = arith.index_cast %add3A_118 : i32 to index
      %swap3A_555 = arith.constant 144 : index
      %swap3A_556 = tpu.vector_load %arg10[%swap3A_554, %swap3A_555] {strides = array<i32>} : memref<128x256xf32, #tpu.memory_space<vmem>>, vector<16xf32>,
      tpu.vector_store %arg10[%swap3A_554, %swap3A_555], %mul3A_553 {strides = array<i32>} : memref<128x256xf32, #tpu.memory_space<vmem>>, vector<16xf32>,
      %mul3A_557 = arith.mulf %get3A_166, %div3A_420 : vector<16xf32>
      %swap3A_558 = arith.index_cast %add3A_118 : i32 to index
      %swap3A_559 = arith.constant 160 : index
      %swap3A_560 = tpu.vector_load %arg10[%swap3A_558, %swap3A_559] {strides = array<i32>} : memref<128x256xf32, #tpu.memory_space<vmem>>, vector<16xf32>,
      tpu.vector_store %arg10[%swap3A_558, %swap3A_559], %mul3A_557 {strides = array<i32>} : memref<128x256xf32, #tpu.memory_space<vmem>>, vector<16xf32>,
      %mul3A_561 = arith.mulf %get3A_169, %div3A_420 : vector<16xf32>
      %swap3A_562 = arith.index_cast %add3A_118 : i32 to index
      %swap3A_563 = arith.constant 176 : index
      %swap3A_564 = tpu.vector_load %arg10[%swap3A_562, %swap3A_563] {strides = array<i32>} : memref<128x256xf32, #tpu.memory_space<vmem>>, vector<16xf32>,
      tpu.vector_store %arg10[%swap3A_562, %swap3A_563], %mul3A_561 {strides = array<i32>} : memref<128x256xf32, #tpu.memory_space<vmem>>, vector<16xf32>,
      %mul3A_565 = arith.mulf %get3A_200, %div3A_452 : vector<16xf32>
      %swap3A_566 = arith.index_cast %add3A_123 : i32 to index
      %swap3A_567 = arith.constant 0 : index
      %swap3A_568 = tpu.vector_load %arg10[%swap3A_566, %swap3A_567] {strides = array<i32>} : memref<128x256xf32, #tpu.memory_space<vmem>>, vector<16xf32>,
      tpu.vector_store %arg10[%swap3A_566, %swap3A_567], %mul3A_565 {strides = array<i32>} : memref<128x256xf32, #tpu.memory_space<vmem>>, vector<16xf32>,
      %mul3A_569 = arith.mulf %get3A_203, %div3A_452 : vector<16xf32>
      %swap3A_570 = arith.index_cast %add3A_123 : i32 to index
      %swap3A_571 = arith.constant 16 : index
      %swap3A_572 = tpu.vector_load %arg10[%swap3A_570, %swap3A_571] {strides = array<i32>} : memref<128x256xf32, #tpu.memory_space<vmem>>, vector<16xf32>,
      tpu.vector_store %arg10[%swap3A_570, %swap3A_571], %mul3A_569 {strides = array<i32>} : memref<128x256xf32, #tpu.memory_space<vmem>>, vector<16xf32>,
      %mul3A_573 = arith.mulf %get3A_206, %div3A_452 : vector<16xf32>
      %swap3A_574 = arith.index_cast %add3A_123 : i32 to index
      %swap3A_575 = arith.constant 32 : index
      %swap3A_576 = tpu.vector_load %arg10[%swap3A_574, %swap3A_575] {strides = array<i32>} : memref<128x256xf32, #tpu.memory_space<vmem>>, vector<16xf32>,
      tpu.vector_store %arg10[%swap3A_574, %swap3A_575], %mul3A_573 {strides = array<i32>} : memref<128x256xf32, #tpu.memory_space<vmem>>, vector<16xf32>,
      %mul3A_577 = arith.mulf %get3A_209, %div3A_452 : vector<16xf32>
      %swap3A_578 = arith.index_cast %add3A_123 : i32 to index
      %swap3A_579 = arith.constant 48 : index
      %swap3A_580 = tpu.vector_load %arg10[%swap3A_578, %swap3A_579] {strides = array<i32>} : memref<128x256xf32, #tpu.memory_space<vmem>>, vector<16xf32>,
      tpu.vector_store %arg10[%swap3A_578, %swap3A_579], %mul3A_577 {strides = array<i32>} : memref<128x256xf32, #tpu.memory_space<vmem>>, vector<16xf32>,
      %mul3A_581 = arith.mulf %get3A_212, %div3A_452 : vector<16xf32>
      %swap3A_582 = arith.index_cast %add3A_123 : i32 to index
      %swap3A_583 = arith.constant 64 : index
      %swap3A_584 = tpu.vector_load %arg10[%swap3A_582, %swap3A_583] {strides = array<i32>} : memref<128x256xf32, #tpu.memory_space<vmem>>, vector<16xf32>,
      tpu.vector_store %arg10[%swap3A_582, %swap3A_583], %mul3A_581 {strides = array<i32>} : memref<128x256xf32, #tpu.memory_space<vmem>>, vector<16xf32>,
      %mul3A_585 = arith.mulf %get3A_215, %div3A_452 : vector<16xf32>
      %swap3A_586 = arith.index_cast %add3A_123 : i32 to index
      %swap3A_587 = arith.constant 80 : index
      %swap3A_588 = tpu.vector_load %arg10[%swap3A_586, %swap3A_587] {strides = array<i32>} : memref<128x256xf32, #tpu.memory_space<vmem>>, vector<16xf32>,
      tpu.vector_store %arg10[%swap3A_586, %swap3A_587], %mul3A_585 {strides = array<i32>} : memref<128x256xf32, #tpu.memory_space<vmem>>, vector<16xf32>,
      %mul3A_589 = arith.mulf %get3A_218, %div3A_452 : vector<16xf32>
      %swap3A_590 = arith.index_cast %add3A_123 : i32 to index
      %swap3A_591 = arith.constant 96 : index
      %swap3A_592 = tpu.vector_load %arg10[%swap3A_590, %swap3A_591] {strides = array<i32>} : memref<128x256xf32, #tpu.memory_space<vmem>>, vector<16xf32>,
      tpu.vector_store %arg10[%swap3A_590, %swap3A_591], %mul3A_589 {strides = array<i32>} : memref<128x256xf32, #tpu.memory_space<vmem>>, vector<16xf32>,
      %mul3A_593 = arith.mulf %get3A_221, %div3A_452 : vector<16xf32>
      %swap3A_594 = arith.index_cast %add3A_123 : i32 to index
      %swap3A_595 = arith.constant 112 : index
      %swap3A_596 = tpu.vector_load %arg10[%swap3A_594, %swap3A_595] {strides = array<i32>} : memref<128x256xf32, #tpu.memory_space<vmem>>, vector<16xf32>,
      tpu.vector_store %arg10[%swap3A_594, %swap3A_595], %mul3A_593 {strides = array<i32>} : memref<128x256xf32, #tpu.memory_space<vmem>>, vector<16xf32>,
      %mul3A_597 = arith.mulf %get3A_224, %div3A_452 : vector<16xf32>
      %swap3A_598 = arith.index_cast %add3A_123 : i32 to index
      %swap3A_599 = arith.constant 128 : index
      %swap3A_600 = tpu.vector_load %arg10[%swap3A_598, %swap3A_599] {strides = array<i32>} : memref<128x256xf32, #tpu.memory_space<vmem>>, vector<16xf32>,
      tpu.vector_store %arg10[%swap3A_598, %swap3A_599], %mul3A_597 {strides = array<i32>} : memref<128x256xf32, #tpu.memory_space<vmem>>, vector<16xf32>,
      %mul3A_601 = arith.mulf %get3A_227, %div3A_452 : vector<16xf32>
      %swap3A_602 = arith.index_cast %add3A_123 : i32 to index
      %swap3A_603 = arith.constant 144 : index
      %swap3A_604 = tpu.vector_load %arg10[%swap3A_602, %swap3A_603] {strides = array<i32>} : memref<128x256xf32, #tpu.memory_space<vmem>>, vector<16xf32>,
      tpu.vector_store %arg10[%swap3A_602, %swap3A_603], %mul3A_601 {strides = array<i32>} : memref<128x256xf32, #tpu.memory_space<vmem>>, vector<16xf32>,
      %mul3A_605 = arith.mulf %get3A_230, %div3A_452 : vector<16xf32>
      %swap3A_606 = arith.index_cast %add3A_123 : i32 to index
      %swap3A_607 = arith.constant 160 : index
      %swap3A_608 = tpu.vector_load %arg10[%swap3A_606, %swap3A_607] {strides = array<i32>} : memref<128x256xf32, #tpu.memory_space<vmem>>, vector<16xf32>,
      tpu.vector_store %arg10[%swap3A_606, %swap3A_607], %mul3A_605 {strides = array<i32>} : memref<128x256xf32, #tpu.memory_space<vmem>>, vector<16xf32>,
      %mul3A_609 = arith.mulf %get3A_233, %div3A_452 : vector<16xf32>
      %swap3A_610 = arith.index_cast %add3A_123 : i32 to index
      %swap3A_611 = arith.constant 176 : index
      %swap3A_612 = tpu.vector_load %arg10[%swap3A_610, %swap3A_611] {strides = array<i32>} : memref<128x256xf32, #tpu.memory_space<vmem>>, vector<16xf32>,
      tpu.vector_store %arg10[%swap3A_610, %swap3A_611], %mul3A_609 {strides = array<i32>} : memref<128x256xf32, #tpu.memory_space<vmem>>, vector<16xf32>,
      %mul3A_613 = arith.mulf %get3A_265, %div3A_484 : vector<16xf32>
      %swap3A_614 = arith.index_cast %add3A_128 : i32 to index
      %swap3A_615 = arith.constant 0 : index
      %swap3A_616 = tpu.vector_load %arg10[%swap3A_614, %swap3A_615] {strides = array<i32>} : memref<128x256xf32, #tpu.memory_space<vmem>>, vector<16xf32>,
      tpu.vector_store %arg10[%swap3A_614, %swap3A_615], %mul3A_613 {strides = array<i32>} : memref<128x256xf32, #tpu.memory_space<vmem>>, vector<16xf32>,
      %mul3A_617 = arith.mulf %get3A_268, %div3A_484 : vector<16xf32>
      %swap3A_618 = arith.index_cast %add3A_128 : i32 to index
      %swap3A_619 = arith.constant 16 : index
      %swap3A_620 = tpu.vector_load %arg10[%swap3A_618, %swap3A_619] {strides = array<i32>} : memref<128x256xf32, #tpu.memory_space<vmem>>, vector<16xf32>,
      tpu.vector_store %arg10[%swap3A_618, %swap3A_619], %mul3A_617 {strides = array<i32>} : memref<128x256xf32, #tpu.memory_space<vmem>>, vector<16xf32>,
      %mul3A_621 = arith.mulf %get3A_271, %div3A_484 : vector<16xf32>
      %swap3A_622 = arith.index_cast %add3A_128 : i32 to index
      %swap3A_623 = arith.constant 32 : index
      %swap3A_624 = tpu.vector_load %arg10[%swap3A_622, %swap3A_623] {strides = array<i32>} : memref<128x256xf32, #tpu.memory_space<vmem>>, vector<16xf32>,
      tpu.vector_store %arg10[%swap3A_622, %swap3A_623], %mul3A_621 {strides = array<i32>} : memref<128x256xf32, #tpu.memory_space<vmem>>, vector<16xf32>,
      %mul3A_625 = arith.mulf %get3A_274, %div3A_484 : vector<16xf32>
      %swap3A_626 = arith.index_cast %add3A_128 : i32 to index
      %swap3A_627 = arith.constant 48 : index
      %swap3A_628 = tpu.vector_load %arg10[%swap3A_626, %swap3A_627] {strides = array<i32>} : memref<128x256xf32, #tpu.memory_space<vmem>>, vector<16xf32>,
      tpu.vector_store %arg10[%swap3A_626, %swap3A_627], %mul3A_625 {strides = array<i32>} : memref<128x256xf32, #tpu.memory_space<vmem>>, vector<16xf32>,
      %mul3A_629 = arith.mulf %get3A_277, %div3A_484 : vector<16xf32>
      %swap3A_630 = arith.index_cast %add3A_128 : i32 to index
      %swap3A_631 = arith.constant 64 : index
      %swap3A_632 = tpu.vector_load %arg10[%swap3A_630, %swap3A_631] {strides = array<i32>} : memref<128x256xf32, #tpu.memory_space<vmem>>, vector<16xf32>,
      tpu.vector_store %arg10[%swap3A_630, %swap3A_631], %mul3A_629 {strides = array<i32>} : memref<128x256xf32, #tpu.memory_space<vmem>>, vector<16xf32>,
      %mul3A_633 = arith.mulf %get3A_280, %div3A_484 : vector<16xf32>
      %swap3A_634 = arith.index_cast %add3A_128 : i32 to index
      %swap3A_635 = arith.constant 80 : index
      %swap3A_636 = tpu.vector_load %arg10[%swap3A_634, %swap3A_635] {strides = array<i32>} : memref<128x256xf32, #tpu.memory_space<vmem>>, vector<16xf32>,
      tpu.vector_store %arg10[%swap3A_634, %swap3A_635], %mul3A_633 {strides = array<i32>} : memref<128x256xf32, #tpu.memory_space<vmem>>, vector<16xf32>,
      %mul3A_637 = arith.mulf %get3A_283, %div3A_484 : vector<16xf32>
      %swap3A_638 = arith.index_cast %add3A_128 : i32 to index
      %swap3A_639 = arith.constant 96 : index
      %swap3A_640 = tpu.vector_load %arg10[%swap3A_638, %swap3A_639] {strides = array<i32>} : memref<128x256xf32, #tpu.memory_space<vmem>>, vector<16xf32>,
      tpu.vector_store %arg10[%swap3A_638, %swap3A_639], %mul3A_637 {strides = array<i32>} : memref<128x256xf32, #tpu.memory_space<vmem>>, vector<16xf32>,
      %mul3A_641 = arith.mulf %get3A_286, %div3A_484 : vector<16xf32>
      %swap3A_642 = arith.index_cast %add3A_128 : i32 to index
      %swap3A_643 = arith.constant 112 : index
      %swap3A_644 = tpu.vector_load %arg10[%swap3A_642, %swap3A_643] {strides = array<i32>} : memref<128x256xf32, #tpu.memory_space<vmem>>, vector<16xf32>,
      tpu.vector_store %arg10[%swap3A_642, %swap3A_643], %mul3A_641 {strides = array<i32>} : memref<128x256xf32, #tpu.memory_space<vmem>>, vector<16xf32>,
      %mul3A_645 = arith.mulf %get3A_289, %div3A_484 : vector<16xf32>
      %swap3A_646 = arith.index_cast %add3A_128 : i32 to index
      %swap3A_647 = arith.constant 128 : index
      %swap3A_648 = tpu.vector_load %arg10[%swap3A_646, %swap3A_647] {strides = array<i32>} : memref<128x256xf32, #tpu.memory_space<vmem>>, vector<16xf32>,
      tpu.vector_store %arg10[%swap3A_646, %swap3A_647], %mul3A_645 {strides = array<i32>} : memref<128x256xf32, #tpu.memory_space<vmem>>, vector<16xf32>,
      %mul3A_649 = arith.mulf %get3A_292, %div3A_484 : vector<16xf32>
      %swap3A_650 = arith.index_cast %add3A_128 : i32 to index
      %swap3A_651 = arith.constant 144 : index
      %swap3A_652 = tpu.vector_load %arg10[%swap3A_650, %swap3A_651] {strides = array<i32>} : memref<128x256xf32, #tpu.memory_space<vmem>>, vector<16xf32>,
      tpu.vector_store %arg10[%swap3A_650, %swap3A_651], %mul3A_649 {strides = array<i32>} : memref<128x256xf32, #tpu.memory_space<vmem>>, vector<16xf32>,
      %mul3A_653 = arith.mulf %get3A_295, %div3A_484 : vector<16xf32>
      %swap3A_654 = arith.index_cast %add3A_128 : i32 to index
      %swap3A_655 = arith.constant 160 : index
      %swap3A_656 = tpu.vector_load %arg10[%swap3A_654, %swap3A_655] {strides = array<i32>} : memref<128x256xf32, #tpu.memory_space<vmem>>, vector<16xf32>,
      tpu.vector_store %arg10[%swap3A_654, %swap3A_655], %mul3A_653 {strides = array<i32>} : memref<128x256xf32, #tpu.memory_space<vmem>>, vector<16xf32>,
      %mul3A_657 = arith.mulf %get3A_298, %div3A_484 : vector<16xf32>
      %swap3A_658 = arith.index_cast %add3A_128 : i32 to index
      %swap3A_659 = arith.constant 176 : index
      %swap3A_660 = tpu.vector_load %arg10[%swap3A_658, %swap3A_659] {strides = array<i32>} : memref<128x256xf32, #tpu.memory_space<vmem>>, vector<16xf32>,
      tpu.vector_store %arg10[%swap3A_658, %swap3A_659], %mul3A_657 {strides = array<i32>} : memref<128x256xf32, #tpu.memory_space<vmem>>, vector<16xf32>,
      %mul3A_661 = arith.mulf %get3A_330, %div3A_516 : vector<16xf32>
      %swap3A_662 = arith.index_cast %add3A_133 : i32 to index
      %swap3A_663 = arith.constant 0 : index
      %swap3A_664 = tpu.vector_load %arg10[%swap3A_662, %swap3A_663] {strides = array<i32>} : memref<128x256xf32, #tpu.memory_space<vmem>>, vector<16xf32>,
      tpu.vector_store %arg10[%swap3A_662, %swap3A_663], %mul3A_661 {strides = array<i32>} : memref<128x256xf32, #tpu.memory_space<vmem>>, vector<16xf32>,
      %mul3A_665 = arith.mulf %get3A_333, %div3A_516 : vector<16xf32>
      %swap3A_666 = arith.index_cast %add3A_133 : i32 to index
      %swap3A_667 = arith.constant 16 : index
      %swap3A_668 = tpu.vector_load %arg10[%swap3A_666, %swap3A_667] {strides = array<i32>} : memref<128x256xf32, #tpu.memory_space<vmem>>, vector<16xf32>,
      tpu.vector_store %arg10[%swap3A_666, %swap3A_667], %mul3A_665 {strides = array<i32>} : memref<128x256xf32, #tpu.memory_space<vmem>>, vector<16xf32>,
      %mul3A_669 = arith.mulf %get3A_336, %div3A_516 : vector<16xf32>
      %swap3A_670 = arith.index_cast %add3A_133 : i32 to index
      %swap3A_671 = arith.constant 32 : index
      %swap3A_672 = tpu.vector_load %arg10[%swap3A_670, %swap3A_671] {strides = array<i32>} : memref<128x256xf32, #tpu.memory_space<vmem>>, vector<16xf32>,
      tpu.vector_store %arg10[%swap3A_670, %swap3A_671], %mul3A_669 {strides = array<i32>} : memref<128x256xf32, #tpu.memory_space<vmem>>, vector<16xf32>,
      %mul3A_673 = arith.mulf %get3A_339, %div3A_516 : vector<16xf32>
      %swap3A_674 = arith.index_cast %add3A_133 : i32 to index
      %swap3A_675 = arith.constant 48 : index
      %swap3A_676 = tpu.vector_load %arg10[%swap3A_674, %swap3A_675] {strides = array<i32>} : memref<128x256xf32, #tpu.memory_space<vmem>>, vector<16xf32>,
      tpu.vector_store %arg10[%swap3A_674, %swap3A_675], %mul3A_673 {strides = array<i32>} : memref<128x256xf32, #tpu.memory_space<vmem>>, vector<16xf32>,
      %mul3A_677 = arith.mulf %get3A_342, %div3A_516 : vector<16xf32>
      %swap3A_678 = arith.index_cast %add3A_133 : i32 to index
      %swap3A_679 = arith.constant 64 : index
      %swap3A_680 = tpu.vector_load %arg10[%swap3A_678, %swap3A_679] {strides = array<i32>} : memref<128x256xf32, #tpu.memory_space<vmem>>, vector<16xf32>,
      tpu.vector_store %arg10[%swap3A_678, %swap3A_679], %mul3A_677 {strides = array<i32>} : memref<128x256xf32, #tpu.memory_space<vmem>>, vector<16xf32>,
      %mul3A_681 = arith.mulf %get3A_345, %div3A_516 : vector<16xf32>
      %swap3A_682 = arith.index_cast %add3A_133 : i32 to index
      %swap3A_683 = arith.constant 80 : index
      %swap3A_684 = tpu.vector_load %arg10[%swap3A_682, %swap3A_683] {strides = array<i32>} : memref<128x256xf32, #tpu.memory_space<vmem>>, vector<16xf32>,
      tpu.vector_store %arg10[%swap3A_682, %swap3A_683], %mul3A_681 {strides = array<i32>} : memref<128x256xf32, #tpu.memory_space<vmem>>, vector<16xf32>,
      %mul3A_685 = arith.mulf %get3A_348, %div3A_516 : vector<16xf32>
      %swap3A_686 = arith.index_cast %add3A_133 : i32 to index
      %swap3A_687 = arith.constant 96 : index
      %swap3A_688 = tpu.vector_load %arg10[%swap3A_686, %swap3A_687] {strides = array<i32>} : memref<128x256xf32, #tpu.memory_space<vmem>>, vector<16xf32>,
      tpu.vector_store %arg10[%swap3A_686, %swap3A_687], %mul3A_685 {strides = array<i32>} : memref<128x256xf32, #tpu.memory_space<vmem>>, vector<16xf32>,
      %mul3A_689 = arith.mulf %get3A_351, %div3A_516 : vector<16xf32>
      %swap3A_690 = arith.index_cast %add3A_133 : i32 to index
      %swap3A_691 = arith.constant 112 : index
      %swap3A_692 = tpu.vector_load %arg10[%swap3A_690, %swap3A_691] {strides = array<i32>} : memref<128x256xf32, #tpu.memory_space<vmem>>, vector<16xf32>,
      tpu.vector_store %arg10[%swap3A_690, %swap3A_691], %mul3A_689 {strides = array<i32>} : memref<128x256xf32, #tpu.memory_space<vmem>>, vector<16xf32>,
      %mul3A_693 = arith.mulf %get3A_354, %div3A_516 : vector<16xf32>
      %swap3A_694 = arith.index_cast %add3A_133 : i32 to index
      %swap3A_695 = arith.constant 128 : index
      %swap3A_696 = tpu.vector_load %arg10[%swap3A_694, %swap3A_695] {strides = array<i32>} : memref<128x256xf32, #tpu.memory_space<vmem>>, vector<16xf32>,
      tpu.vector_store %arg10[%swap3A_694, %swap3A_695], %mul3A_693 {strides = array<i32>} : memref<128x256xf32, #tpu.memory_space<vmem>>, vector<16xf32>,
      %mul3A_697 = arith.mulf %get3A_357, %div3A_516 : vector<16xf32>
      %swap3A_698 = arith.index_cast %add3A_133 : i32 to index
      %swap3A_699 = arith.constant 144 : index
      %swap3A_700 = tpu.vector_load %arg10[%swap3A_698, %swap3A_699] {strides = array<i32>} : memref<128x256xf32, #tpu.memory_space<vmem>>, vector<16xf32>,
      tpu.vector_store %arg10[%swap3A_698, %swap3A_699], %mul3A_697 {strides = array<i32>} : memref<128x256xf32, #tpu.memory_space<vmem>>, vector<16xf32>,
      %mul3A_701 = arith.mulf %get3A_360, %div3A_516 : vector<16xf32>
      %swap3A_702 = arith.index_cast %add3A_133 : i32 to index
      %swap3A_703 = arith.constant 160 : index
      %swap3A_704 = tpu.vector_load %arg10[%swap3A_702, %swap3A_703] {strides = array<i32>} : memref<128x256xf32, #tpu.memory_space<vmem>>, vector<16xf32>,
      tpu.vector_store %arg10[%swap3A_702, %swap3A_703], %mul3A_701 {strides = array<i32>} : memref<128x256xf32, #tpu.memory_space<vmem>>, vector<16xf32>,
      %mul3A_705 = arith.mulf %get3A_363, %div3A_516 : vector<16xf32>
      %swap3A_706 = arith.index_cast %add3A_133 : i32 to index
      %swap3A_707 = arith.constant 176 : index
      %swap3A_708 = tpu.vector_load %arg10[%swap3A_706, %swap3A_707] {strides = array<i32>} : memref<128x256xf32, #tpu.memory_space<vmem>>, vector<16xf32>,
      tpu.vector_store %arg10[%swap3A_706, %swap3A_707], %mul3A_705 {strides = array<i32>} : memref<128x256xf32, #tpu.memory_space<vmem>>, vector<16xf32>,
    }
    %scan3A_74 = arith.constant 16 : i32
    %mul3A_75 = arith.constant 128 : i32
    %mul3A_76 = arith.muli %add3A, %mul3A_75 : i32
    %dma_start3A_77 = arith.constant 0 : i32
    %dma_start3A_78 = arith.constant 0 : i32
    %dma_start3A_79 = tpu.memref_slice %arg10[%dma_start3A_77, %dma_start3A_78] : memref<128x256xf32, #tpu.memory_space<vmem>> -> memref<64x256xf32, #tpu.memory_space<vmem>>
    %dma_start3A_80 = arith.constant 0 : i32
    %dma_start3A_81 = tpu.memref_slice %arg4[%mul3A_76, %dma_start3A_80] : memref<4096x256xf32, #tpu.memory_space<hbm>> -> memref<64x256xf32, #tpu.memory_space<hbm>>
    %dma_start3A_82 = arith.constant 0 : i32
    %dma_start3A_83 = tpu.memref_slice %arg4[%mul3A_76, %dma_start3A_82] : memref<4096x256xf32, #tpu.memory_space<hbm>> -> memref<64x256xf32, #tpu.memory_space<hbm>>
    %dma_start3A_84 = arith.constant 0 : i32
    %dma_start3A_85 = arith.constant 0 : i32
    %dma_start3A_86 = tpu.memref_slice %arg10[%dma_start3A_84, %dma_start3A_85] : memref<128x256xf32, #tpu.memory_space<vmem>> -> memref<64x256xf32, #tpu.memory_space<vmem>>
    tpu.enqueue_dma source(%dma_start3A_86 : memref<64x256xf32, #tpu.memory_space<vmem>>) target(%dma_start3A_83 : memref<64x256xf32, #tpu.memory_space<hbm>>) target_semaphore(%arg13 : memref<!tpu.dma_semaphore, #tpu.memory_space<semaphore_mem>>)
    "tpu.trace_stop"() : () -> ()
    "tpu.trace_start"() <{level = 10 : i32, message = "half1"}> : () -> ()
    %dma_wait3A_87 = arith.constant 64 : i32
    %dma_wait3A_88 = arith.constant 0 : i32
    %dma_wait3A_89 = tpu.memref_slice %arg8[%dma_wait3A_87, %dma_wait3A_88] : memref<128x384xf32, #tpu.memory_space<vmem>> -> memref<64x384xf32, #tpu.memory_space<vmem>>
    %dma_wait3A_90 = arith.constant 0 : i32
    %dma_wait3A_91 = arith.constant 0 : i32
    %dma_wait3A_92 = tpu.memref_slice %arg2[%dma_wait3A_90, %dma_wait3A_91] : memref<65536x384xf32, #tpu.memory_space<hbm>> -> memref<65536x384xf32, #tpu.memory_space<hbm>>
    tpu.wait_indirect_dma semaphore(%arg12 : memref<!tpu.dma_semaphore, #tpu.memory_space<semaphore_mem>>) src(%dma_wait3A_92 : memref<65536x384xf32, #tpu.memory_space<hbm>>) dst(%dma_wait3A_89 : memref<64x384xf32, #tpu.memory_space<vmem>>)
    %scan3A_93 = arith.constant 64 : i32
    %scan3A_94 = arith.constant 0 : i32
    %scan3A_95 = arith.constant 16 : i32
    %scan3A_96 = arith.addi %scan3A_94, %scan3A_95 : i32
    %scan3A_97 = arith.constant 1 : i32
    scf.for %scan3A_113 = %scan3A_94 to %scan3A_96 step %scan3A_97  : i32 {
      %mul3A_114 = arith.constant 4 : i32
      %mul3A_115 = arith.muli %scan3A_113, %mul3A_114 : i32
      %add3A_116 = arith.addi %scan3A_93, %mul3A_115 : i32
      %add3A_117 = arith.constant 0 : i32
      %add3A_118 = arith.addi %add3A_116, %add3A_117 : i32
      %mul3A_119 = arith.constant 4 : i32
      %mul3A_120 = arith.muli %scan3A_113, %mul3A_119 : i32
      %add3A_121 = arith.addi %scan3A_93, %mul3A_120 : i32
      %add3A_122 = arith.constant 1 : i32
      %add3A_123 = arith.addi %add3A_121, %add3A_122 : i32
      %mul3A_124 = arith.constant 4 : i32
      %mul3A_125 = arith.muli %scan3A_113, %mul3A_124 : i32
      %add3A_126 = arith.addi %scan3A_93, %mul3A_125 : i32
      %add3A_127 = arith.constant 2 : i32
      %add3A_128 = arith.addi %add3A_126, %add3A_127 : i32
      %mul3A_129 = arith.constant 4 : i32
      %mul3A_130 = arith.muli %scan3A_113, %mul3A_129 : i32
      %add3A_131 = arith.addi %scan3A_93, %mul3A_130 : i32
      %add3A_132 = arith.constant 3 : i32
      %add3A_133 = arith.addi %add3A_131, %add3A_132 : i32
      %get3A_134 = arith.index_cast %add3A_118 : i32 to index
      %get3A_135 = arith.constant 0 : index
      %get3A_136 = tpu.vector_load %arg8[%get3A_134, %get3A_135] {strides = array<i32>} : memref<128x384xf32, #tpu.memory_space<vmem>>, vector<16xf32>,
      %get3A_137 = arith.index_cast %add3A_118 : i32 to index
      %get3A_138 = arith.constant 16 : index
      %get3A_139 = tpu.vector_load %arg8[%get3A_137, %get3A_138] {strides = array<i32>} : memref<128x384xf32, #tpu.memory_space<vmem>>, vector<16xf32>,
      %get3A_140 = arith.index_cast %add3A_118 : i32 to index
      %get3A_141 = arith.constant 32 : index
      %get3A_142 = tpu.vector_load %arg8[%get3A_140, %get3A_141] {strides = array<i32>} : memref<128x384xf32, #tpu.memory_space<vmem>>, vector<16xf32>,
      %get3A_143 = arith.index_cast %add3A_118 : i32 to index
      %get3A_144 = arith.constant 48 : index
      %get3A_145 = tpu.vector_load %arg8[%get3A_143, %get3A_144] {strides = array<i32>} : memref<128x384xf32, #tpu.memory_space<vmem>>, vector<16xf32>,
      %get3A_146 = arith.index_cast %add3A_118 : i32 to index
      %get3A_147 = arith.constant 64 : index
      %get3A_148 = tpu.vector_load %arg8[%get3A_146, %get3A_147] {strides = array<i32>} : memref<128x384xf32, #tpu.memory_space<vmem>>, vector<16xf32>,
      %get3A_149 = arith.index_cast %add3A_118 : i32 to index
      %get3A_150 = arith.constant 80 : index
      %get3A_151 = tpu.vector_load %arg8[%get3A_149, %get3A_150] {strides = array<i32>} : memref<128x384xf32, #tpu.memory_space<vmem>>, vector<16xf32>,
      %get3A_152 = arith.index_cast %add3A_118 : i32 to index
      %get3A_153 = arith.constant 96 : index
      %get3A_154 = tpu.vector_load %arg8[%get3A_152, %get3A_153] {strides = array<i32>} : memref<128x384xf32, #tpu.memory_space<vmem>>, vector<16xf32>,
      %get3A_155 = arith.index_cast %add3A_118 : i32 to index
      %get3A_156 = arith.constant 112 : index
      %get3A_157 = tpu.vector_load %arg8[%get3A_155, %get3A_156] {strides = array<i32>} : memref<128x384xf32, #tpu.memory_space<vmem>>, vector<16xf32>,
      %get3A_158 = arith.index_cast %add3A_118 : i32 to index
      %get3A_159 = arith.constant 128 : index
      %get3A_160 = tpu.vector_load %arg8[%get3A_158, %get3A_159] {strides = array<i32>} : memref<128x384xf32, #tpu.memory_space<vmem>>, vector<16xf32>,
      %get3A_161 = arith.index_cast %add3A_118 : i32 to index
      %get3A_162 = arith.constant 144 : index
      %get3A_163 = tpu.vector_load %arg8[%get3A_161, %get3A_162] {strides = array<i32>} : memref<128x384xf32, #tpu.memory_space<vmem>>, vector<16xf32>,
      %get3A_164 = arith.index_cast %add3A_118 : i32 to index
      %get3A_165 = arith.constant 160 : index
      %get3A_166 = tpu.vector_load %arg8[%get3A_164, %get3A_165] {strides = array<i32>} : memref<128x384xf32, #tpu.memory_space<vmem>>, vector<16xf32>,
      %get3A_167 = arith.index_cast %add3A_118 : i32 to index
      %get3A_168 = arith.constant 176 : index
      %get3A_169 = tpu.vector_load %arg8[%get3A_167, %get3A_168] {strides = array<i32>} : memref<128x384xf32, #tpu.memory_space<vmem>>, vector<16xf32>,
      %mul3A_170 = arith.mulf %get3A_136, %get3A_136 : vector<16xf32>
      %mul3A_171 = arith.mulf %get3A_139, %get3A_139 : vector<16xf32>
      %add3A_172 = arith.addf %mul3A_170, %mul3A_171 : vector<16xf32>
      %mul3A_173 = arith.mulf %get3A_142, %get3A_142 : vector<16xf32>
      %add3A_174 = arith.addf %add3A_172, %mul3A_173 : vector<16xf32>
      %mul3A_175 = arith.mulf %get3A_145, %get3A_145 : vector<16xf32>
      %add3A_176 = arith.addf %add3A_174, %mul3A_175 : vector<16xf32>
      %mul3A_177 = arith.mulf %get3A_148, %get3A_148 : vector<16xf32>
      %add3A_178 = arith.addf %add3A_176, %mul3A_177 : vector<16xf32>
      %mul3A_179 = arith.mulf %get3A_151, %get3A_151 : vector<16xf32>
      %add3A_180 = arith.addf %add3A_178, %mul3A_179 : vector<16xf32>
      %mul3A_181 = arith.mulf %get3A_154, %get3A_154 : vector<16xf32>
      %add3A_182 = arith.addf %add3A_180, %mul3A_181 : vector<16xf32>
      %mul3A_183 = arith.mulf %get3A_157, %get3A_157 : vector<16xf32>
      %add3A_184 = arith.addf %add3A_182, %mul3A_183 : vector<16xf32>
      %mul3A_185 = arith.mulf %get3A_160, %get3A_160 : vector<16xf32>
      %add3A_186 = arith.addf %add3A_184, %mul3A_185 : vector<16xf32>
      %mul3A_187 = arith.mulf %get3A_163, %get3A_163 : vector<16xf32>
      %add3A_188 = arith.addf %add3A_186, %mul3A_187 : vector<16xf32>
      %mul3A_189 = arith.mulf %get3A_166, %get3A_166 : vector<16xf32>
      %add3A_190 = arith.addf %add3A_188, %mul3A_189 : vector<16xf32>
      %mul3A_191 = arith.mulf %get3A_169, %get3A_169 : vector<16xf32>
      %add3A_192 = arith.addf %add3A_190, %mul3A_191 : vector<16xf32>
      %broadcast_in_dim3A_193 = arith.constant true
      %broadcast_in_dim3A_194 = vector.broadcast %broadcast_in_dim3A_193 : i1 to vector<16xi1>
      %masked_cumsum3A = tpu.scan <sum>, %add3A_192 masked %broadcast_in_dim3A_194 : vector<16xf32>, vector<16xi1> -> vector<16xf32>
      %swap3A_195 = arith.index_cast %add3A_118 : i32 to index
      %swap3A_196 = arith.constant 0 : index
      %swap3A_197 = tpu.vector_load %arg9[%swap3A_195, %swap3A_196] {strides = array<i32>} : memref<128x16xf32, #tpu.memory_space<vmem>>, vector<16xf32>,
      tpu.vector_store %arg9[%swap3A_195, %swap3A_196], %masked_cumsum3A {strides = array<i32>} : memref<128x16xf32, #tpu.memory_space<vmem>>, vector<16xf32>,
      %get3A_198 = arith.index_cast %add3A_123 : i32 to index
      %get3A_199 = arith.constant 0 : index
      %get3A_200 = tpu.vector_load %arg8[%get3A_198, %get3A_199] {strides = array<i32>} : memref<128x384xf32, #tpu.memory_space<vmem>>, vector<16xf32>,
      %get3A_201 = arith.index_cast %add3A_123 : i32 to index
      %get3A_202 = arith.constant 16 : index
      %get3A_203 = tpu.vector_load %arg8[%get3A_201, %get3A_202] {strides = array<i32>} : memref<128x384xf32, #tpu.memory_space<vmem>>, vector<16xf32>,
      %get3A_204 = arith.index_cast %add3A_123 : i32 to index
      %get3A_205 = arith.constant 32 : index
      %get3A_206 = tpu.vector_load %arg8[%get3A_204, %get3A_205] {strides = array<i32>} : memref<128x384xf32, #tpu.memory_space<vmem>>, vector<16xf32>,
      %get3A_207 = arith.index_cast %add3A_123 : i32 to index
      %get3A_208 = arith.constant 48 : index
      %get3A_209 = tpu.vector_load %arg8[%get3A_207, %get3A_208] {strides = array<i32>} : memref<128x384xf32, #tpu.memory_space<vmem>>, vector<16xf32>,
      %get3A_210 = arith.index_cast %add3A_123 : i32 to index
      %get3A_211 = arith.constant 64 : index
      %get3A_212 = tpu.vector_load %arg8[%get3A_210, %get3A_211] {strides = array<i32>} : memref<128x384xf32, #tpu.memory_space<vmem>>, vector<16xf32>,
      %get3A_213 = arith.index_cast %add3A_123 : i32 to index
      %get3A_214 = arith.constant 80 : index
      %get3A_215 = tpu.vector_load %arg8[%get3A_213, %get3A_214] {strides = array<i32>} : memref<128x384xf32, #tpu.memory_space<vmem>>, vector<16xf32>,
      %get3A_216 = arith.index_cast %add3A_123 : i32 to index
      %get3A_217 = arith.constant 96 : index
      %get3A_218 = tpu.vector_load %arg8[%get3A_216, %get3A_217] {strides = array<i32>} : memref<128x384xf32, #tpu.memory_space<vmem>>, vector<16xf32>,
      %get3A_219 = arith.index_cast %add3A_123 : i32 to index
      %get3A_220 = arith.constant 112 : index
      %get3A_221 = tpu.vector_load %arg8[%get3A_219, %get3A_220] {strides = array<i32>} : memref<128x384xf32, #tpu.memory_space<vmem>>, vector<16xf32>,
      %get3A_222 = arith.index_cast %add3A_123 : i32 to index
      %get3A_223 = arith.constant 128 : index
      %get3A_224 = tpu.vector_load %arg8[%get3A_222, %get3A_223] {strides = array<i32>} : memref<128x384xf32, #tpu.memory_space<vmem>>, vector<16xf32>,
      %get3A_225 = arith.index_cast %add3A_123 : i32 to index
      %get3A_226 = arith.constant 144 : index
      %get3A_227 = tpu.vector_load %arg8[%get3A_225, %get3A_226] {strides = array<i32>} : memref<128x384xf32, #tpu.memory_space<vmem>>, vector<16xf32>,
      %get3A_228 = arith.index_cast %add3A_123 : i32 to index
      %get3A_229 = arith.constant 160 : index
      %get3A_230 = tpu.vector_load %arg8[%get3A_228, %get3A_229] {strides = array<i32>} : memref<128x384xf32, #tpu.memory_space<vmem>>, vector<16xf32>,
      %get3A_231 = arith.index_cast %add3A_123 : i32 to index
      %get3A_232 = arith.constant 176 : index
      %get3A_233 = tpu.vector_load %arg8[%get3A_231, %get3A_232] {strides = array<i32>} : memref<128x384xf32, #tpu.memory_space<vmem>>, vector<16xf32>,
      %mul3A_234 = arith.mulf %get3A_200, %get3A_200 : vector<16xf32>
      %mul3A_235 = arith.mulf %get3A_203, %get3A_203 : vector<16xf32>
      %add3A_236 = arith.addf %mul3A_234, %mul3A_235 : vector<16xf32>
      %mul3A_237 = arith.mulf %get3A_206, %get3A_206 : vector<16xf32>
      %add3A_238 = arith.addf %add3A_236, %mul3A_237 : vector<16xf32>
      %mul3A_239 = arith.mulf %get3A_209, %get3A_209 : vector<16xf32>
      %add3A_240 = arith.addf %add3A_238, %mul3A_239 : vector<16xf32>
      %mul3A_241 = arith.mulf %get3A_212, %get3A_212 : vector<16xf32>
      %add3A_242 = arith.addf %add3A_240, %mul3A_241 : vector<16xf32>
      %mul3A_243 = arith.mulf %get3A_215, %get3A_215 : vector<16xf32>
      %add3A_244 = arith.addf %add3A_242, %mul3A_243 : vector<16xf32>
      %mul3A_245 = arith.mulf %get3A_218, %get3A_218 : vector<16xf32>
      %add3A_246 = arith.addf %add3A_244, %mul3A_245 : vector<16xf32>
      %mul3A_247 = arith.mulf %get3A_221, %get3A_221 : vector<16xf32>
      %add3A_248 = arith.addf %add3A_246, %mul3A_247 : vector<16xf32>
      %mul3A_249 = arith.mulf %get3A_224, %get3A_224 : vector<16xf32>
      %add3A_250 = arith.addf %add3A_248, %mul3A_249 : vector<16xf32>
      %mul3A_251 = arith.mulf %get3A_227, %get3A_227 : vector<16xf32>
      %add3A_252 = arith.addf %add3A_250, %mul3A_251 : vector<16xf32>
      %mul3A_253 = arith.mulf %get3A_230, %get3A_230 : vector<16xf32>
      %add3A_254 = arith.addf %add3A_252, %mul3A_253 : vector<16xf32>
      %mul3A_255 = arith.mulf %get3A_233, %get3A_233 : vector<16xf32>
      %add3A_256 = arith.addf %add3A_254, %mul3A_255 : vector<16xf32>
      %broadcast_in_dim3A_257 = arith.constant true
      %broadcast_in_dim3A_258 = vector.broadcast %broadcast_in_dim3A_257 : i1 to vector<16xi1>
      %masked_cumsum3A_259 = tpu.scan <sum>, %add3A_256 masked %broadcast_in_dim3A_258 : vector<16xf32>, vector<16xi1> -> vector<16xf32>
      %swap3A_260 = arith.index_cast %add3A_123 : i32 to index
      %swap3A_261 = arith.constant 0 : index
      %swap3A_262 = tpu.vector_load %arg9[%swap3A_260, %swap3A_261] {strides = array<i32>} : memref<128x16xf32, #tpu.memory_space<vmem>>, vector<16xf32>,
      tpu.vector_store %arg9[%swap3A_260, %swap3A_261], %masked_cumsum3A_259 {strides = array<i32>} : memref<128x16xf32, #tpu.memory_space<vmem>>, vector<16xf32>,
      %get3A_263 = arith.index_cast %add3A_128 : i32 to index
      %get3A_264 = arith.constant 0 : index
      %get3A_265 = tpu.vector_load %arg8[%get3A_263, %get3A_264] {strides = array<i32>} : memref<128x384xf32, #tpu.memory_space<vmem>>, vector<16xf32>,
      %get3A_266 = arith.index_cast %add3A_128 : i32 to index
      %get3A_267 = arith.constant 16 : index
      %get3A_268 = tpu.vector_load %arg8[%get3A_266, %get3A_267] {strides = array<i32>} : memref<128x384xf32, #tpu.memory_space<vmem>>, vector<16xf32>,
      %get3A_269 = arith.index_cast %add3A_128 : i32 to index
      %get3A_270 = arith.constant 32 : index
      %get3A_271 = tpu.vector_load %arg8[%get3A_269, %get3A_270] {strides = array<i32>} : memref<128x384xf32, #tpu.memory_space<vmem>>, vector<16xf32>,
      %get3A_272 = arith.index_cast %add3A_128 : i32 to index
      %get3A_273 = arith.constant 48 : index
      %get3A_274 = tpu.vector_load %arg8[%get3A_272, %get3A_273] {strides = array<i32>} : memref<128x384xf32, #tpu.memory_space<vmem>>, vector<16xf32>,
      %get3A_275 = arith.index_cast %add3A_128 : i32 to index
      %get3A_276 = arith.constant 64 : index
      %get3A_277 = tpu.vector_load %arg8[%get3A_275, %get3A_276] {strides = array<i32>} : memref<128x384xf32, #tpu.memory_space<vmem>>, vector<16xf32>,
      %get3A_278 = arith.index_cast %add3A_128 : i32 to index
      %get3A_279 = arith.constant 80 : index
      %get3A_280 = tpu.vector_load %arg8[%get3A_278, %get3A_279] {strides = array<i32>} : memref<128x384xf32, #tpu.memory_space<vmem>>, vector<16xf32>,
      %get3A_281 = arith.index_cast %add3A_128 : i32 to index
      %get3A_282 = arith.constant 96 : index
      %get3A_283 = tpu.vector_load %arg8[%get3A_281, %get3A_282] {strides = array<i32>} : memref<128x384xf32, #tpu.memory_space<vmem>>, vector<16xf32>,
      %get3A_284 = arith.index_cast %add3A_128 : i32 to index
      %get3A_285 = arith.constant 112 : index
      %get3A_286 = tpu.vector_load %arg8[%get3A_284, %get3A_285] {strides = array<i32>} : memref<128x384xf32, #tpu.memory_space<vmem>>, vector<16xf32>,
      %get3A_287 = arith.index_cast %add3A_128 : i32 to index
      %get3A_288 = arith.constant 128 : index
      %get3A_289 = tpu.vector_load %arg8[%get3A_287, %get3A_288] {strides = array<i32>} : memref<128x384xf32, #tpu.memory_space<vmem>>, vector<16xf32>,
      %get3A_290 = arith.index_cast %add3A_128 : i32 to index
      %get3A_291 = arith.constant 144 : index
      %get3A_292 = tpu.vector_load %arg8[%get3A_290, %get3A_291] {strides = array<i32>} : memref<128x384xf32, #tpu.memory_space<vmem>>, vector<16xf32>,
      %get3A_293 = arith.index_cast %add3A_128 : i32 to index
      %get3A_294 = arith.constant 160 : index
      %get3A_295 = tpu.vector_load %arg8[%get3A_293, %get3A_294] {strides = array<i32>} : memref<128x384xf32, #tpu.memory_space<vmem>>, vector<16xf32>,
      %get3A_296 = arith.index_cast %add3A_128 : i32 to index
      %get3A_297 = arith.constant 176 : index
      %get3A_298 = tpu.vector_load %arg8[%get3A_296, %get3A_297] {strides = array<i32>} : memref<128x384xf32, #tpu.memory_space<vmem>>, vector<16xf32>,
      %mul3A_299 = arith.mulf %get3A_265, %get3A_265 : vector<16xf32>
      %mul3A_300 = arith.mulf %get3A_268, %get3A_268 : vector<16xf32>
      %add3A_301 = arith.addf %mul3A_299, %mul3A_300 : vector<16xf32>
      %mul3A_302 = arith.mulf %get3A_271, %get3A_271 : vector<16xf32>
      %add3A_303 = arith.addf %add3A_301, %mul3A_302 : vector<16xf32>
      %mul3A_304 = arith.mulf %get3A_274, %get3A_274 : vector<16xf32>
      %add3A_305 = arith.addf %add3A_303, %mul3A_304 : vector<16xf32>
      %mul3A_306 = arith.mulf %get3A_277, %get3A_277 : vector<16xf32>
      %add3A_307 = arith.addf %add3A_305, %mul3A_306 : vector<16xf32>
      %mul3A_308 = arith.mulf %get3A_280, %get3A_280 : vector<16xf32>
      %add3A_309 = arith.addf %add3A_307, %mul3A_308 : vector<16xf32>
      %mul3A_310 = arith.mulf %get3A_283, %get3A_283 : vector<16xf32>
      %add3A_311 = arith.addf %add3A_309, %mul3A_310 : vector<16xf32>
      %mul3A_312 = arith.mulf %get3A_286, %get3A_286 : vector<16xf32>
      %add3A_313 = arith.addf %add3A_311, %mul3A_312 : vector<16xf32>
      %mul3A_314 = arith.mulf %get3A_289, %get3A_289 : vector<16xf32>
      %add3A_315 = arith.addf %add3A_313, %mul3A_314 : vector<16xf32>
      %mul3A_316 = arith.mulf %get3A_292, %get3A_292 : vector<16xf32>
      %add3A_317 = arith.addf %add3A_315, %mul3A_316 : vector<16xf32>
      %mul3A_318 = arith.mulf %get3A_295, %get3A_295 : vector<16xf32>
      %add3A_319 = arith.addf %add3A_317, %mul3A_318 : vector<16xf32>
      %mul3A_320 = arith.mulf %get3A_298, %get3A_298 : vector<16xf32>
      %add3A_321 = arith.addf %add3A_319, %mul3A_320 : vector<16xf32>
      %broadcast_in_dim3A_322 = arith.constant true
      %broadcast_in_dim3A_323 = vector.broadcast %broadcast_in_dim3A_322 : i1 to vector<16xi1>
      %masked_cumsum3A_324 = tpu.scan <sum>, %add3A_321 masked %broadcast_in_dim3A_323 : vector<16xf32>, vector<16xi1> -> vector<16xf32>
      %swap3A_325 = arith.index_cast %add3A_128 : i32 to index
      %swap3A_326 = arith.constant 0 : index
      %swap3A_327 = tpu.vector_load %arg9[%swap3A_325, %swap3A_326] {strides = array<i32>} : memref<128x16xf32, #tpu.memory_space<vmem>>, vector<16xf32>,
      tpu.vector_store %arg9[%swap3A_325, %swap3A_326], %masked_cumsum3A_324 {strides = array<i32>} : memref<128x16xf32, #tpu.memory_space<vmem>>, vector<16xf32>,
      %get3A_328 = arith.index_cast %add3A_133 : i32 to index
      %get3A_329 = arith.constant 0 : index
      %get3A_330 = tpu.vector_load %arg8[%get3A_328, %get3A_329] {strides = array<i32>} : memref<128x384xf32, #tpu.memory_space<vmem>>, vector<16xf32>,
      %get3A_331 = arith.index_cast %add3A_133 : i32 to index
      %get3A_332 = arith.constant 16 : index
      %get3A_333 = tpu.vector_load %arg8[%get3A_331, %get3A_332] {strides = array<i32>} : memref<128x384xf32, #tpu.memory_space<vmem>>, vector<16xf32>,
      %get3A_334 = arith.index_cast %add3A_133 : i32 to index
      %get3A_335 = arith.constant 32 : index
      %get3A_336 = tpu.vector_load %arg8[%get3A_334, %get3A_335] {strides = array<i32>} : memref<128x384xf32, #tpu.memory_space<vmem>>, vector<16xf32>,
      %get3A_337 = arith.index_cast %add3A_133 : i32 to index
      %get3A_338 = arith.constant 48 : index
      %get3A_339 = tpu.vector_load %arg8[%get3A_337, %get3A_338] {strides = array<i32>} : memref<128x384xf32, #tpu.memory_space<vmem>>, vector<16xf32>,
      %get3A_340 = arith.index_cast %add3A_133 : i32 to index
      %get3A_341 = arith.constant 64 : index
      %get3A_342 = tpu.vector_load %arg8[%get3A_340, %get3A_341] {strides = array<i32>} : memref<128x384xf32, #tpu.memory_space<vmem>>, vector<16xf32>,
      %get3A_343 = arith.index_cast %add3A_133 : i32 to index
      %get3A_344 = arith.constant 80 : index
      %get3A_345 = tpu.vector_load %arg8[%get3A_343, %get3A_344] {strides = array<i32>} : memref<128x384xf32, #tpu.memory_space<vmem>>, vector<16xf32>,
      %get3A_346 = arith.index_cast %add3A_133 : i32 to index
      %get3A_347 = arith.constant 96 : index
      %get3A_348 = tpu.vector_load %arg8[%get3A_346, %get3A_347] {strides = array<i32>} : memref<128x384xf32, #tpu.memory_space<vmem>>, vector<16xf32>,
      %get3A_349 = arith.index_cast %add3A_133 : i32 to index
      %get3A_350 = arith.constant 112 : index
      %get3A_351 = tpu.vector_load %arg8[%get3A_349, %get3A_350] {strides = array<i32>} : memref<128x384xf32, #tpu.memory_space<vmem>>, vector<16xf32>,
      %get3A_352 = arith.index_cast %add3A_133 : i32 to index
      %get3A_353 = arith.constant 128 : index
      %get3A_354 = tpu.vector_load %arg8[%get3A_352, %get3A_353] {strides = array<i32>} : memref<128x384xf32, #tpu.memory_space<vmem>>, vector<16xf32>,
      %get3A_355 = arith.index_cast %add3A_133 : i32 to index
      %get3A_356 = arith.constant 144 : index
      %get3A_357 = tpu.vector_load %arg8[%get3A_355, %get3A_356] {strides = array<i32>} : memref<128x384xf32, #tpu.memory_space<vmem>>, vector<16xf32>,
      %get3A_358 = arith.index_cast %add3A_133 : i32 to index
      %get3A_359 = arith.constant 160 : index
      %get3A_360 = tpu.vector_load %arg8[%get3A_358, %get3A_359] {strides = array<i32>} : memref<128x384xf32, #tpu.memory_space<vmem>>, vector<16xf32>,
      %get3A_361 = arith.index_cast %add3A_133 : i32 to index
      %get3A_362 = arith.constant 176 : index
      %get3A_363 = tpu.vector_load %arg8[%get3A_361, %get3A_362] {strides = array<i32>} : memref<128x384xf32, #tpu.memory_space<vmem>>, vector<16xf32>,
      %mul3A_364 = arith.mulf %get3A_330, %get3A_330 : vector<16xf32>
      %mul3A_365 = arith.mulf %get3A_333, %get3A_333 : vector<16xf32>
      %add3A_366 = arith.addf %mul3A_364, %mul3A_365 : vector<16xf32>
      %mul3A_367 = arith.mulf %get3A_336, %get3A_336 : vector<16xf32>
      %add3A_368 = arith.addf %add3A_366, %mul3A_367 : vector<16xf32>
      %mul3A_369 = arith.mulf %get3A_339, %get3A_339 : vector<16xf32>
      %add3A_370 = arith.addf %add3A_368, %mul3A_369 : vector<16xf32>
      %mul3A_371 = arith.mulf %get3A_342, %get3A_342 : vector<16xf32>
      %add3A_372 = arith.addf %add3A_370, %mul3A_371 : vector<16xf32>
      %mul3A_373 = arith.mulf %get3A_345, %get3A_345 : vector<16xf32>
      %add3A_374 = arith.addf %add3A_372, %mul3A_373 : vector<16xf32>
      %mul3A_375 = arith.mulf %get3A_348, %get3A_348 : vector<16xf32>
      %add3A_376 = arith.addf %add3A_374, %mul3A_375 : vector<16xf32>
      %mul3A_377 = arith.mulf %get3A_351, %get3A_351 : vector<16xf32>
      %add3A_378 = arith.addf %add3A_376, %mul3A_377 : vector<16xf32>
      %mul3A_379 = arith.mulf %get3A_354, %get3A_354 : vector<16xf32>
      %add3A_380 = arith.addf %add3A_378, %mul3A_379 : vector<16xf32>
      %mul3A_381 = arith.mulf %get3A_357, %get3A_357 : vector<16xf32>
      %add3A_382 = arith.addf %add3A_380, %mul3A_381 : vector<16xf32>
      %mul3A_383 = arith.mulf %get3A_360, %get3A_360 : vector<16xf32>
      %add3A_384 = arith.addf %add3A_382, %mul3A_383 : vector<16xf32>
      %mul3A_385 = arith.mulf %get3A_363, %get3A_363 : vector<16xf32>
      %add3A_386 = arith.addf %add3A_384, %mul3A_385 : vector<16xf32>
      %broadcast_in_dim3A_387 = arith.constant true
      %broadcast_in_dim3A_388 = vector.broadcast %broadcast_in_dim3A_387 : i1 to vector<16xi1>
      %masked_cumsum3A_389 = tpu.scan <sum>, %add3A_386 masked %broadcast_in_dim3A_388 : vector<16xf32>, vector<16xi1> -> vector<16xf32>
      %swap3A_390 = arith.index_cast %add3A_133 : i32 to index
      %swap3A_391 = arith.constant 0 : index
      %swap3A_392 = tpu.vector_load %arg9[%swap3A_390, %swap3A_391] {strides = array<i32>} : memref<128x16xf32, #tpu.memory_space<vmem>>, vector<16xf32>,
      tpu.vector_store %arg9[%swap3A_390, %swap3A_391], %masked_cumsum3A_389 {strides = array<i32>} : memref<128x16xf32, #tpu.memory_space<vmem>>, vector<16xf32>,
      %broadcast_in_dim3A_393 = vector.broadcast %add3A_118 : i32 to vector<16xi32>
      %gather3A = tpu.vector_load_idx %arg9[%broadcast_in_dim3A_393, %broadcast_in_dim3A_64] : memref<128x16xf32, #tpu.memory_space<vmem>>[vector<16xi32>, vector<16xi32>], vector<16xf32>,
      %bitcast3A = vector.bitcast %gather3A : vector<16xf32> to vector<16xi32>
      %shift_right_arithmetic3A = arith.constant 1 : i32
      %shift_right_arithmetic3A_394 = vector.broadcast %shift_right_arithmetic3A : i32 to vector<16xi32>
      %shift_right_arithmetic3A_395 = arith.shrsi %bitcast3A, %shift_right_arithmetic3A_394 : vector<16xi32>
      %sub3A = arith.constant 1597463007 : i32
      %sub3A_396 = vector.broadcast %sub3A : i32 to vector<16xi32>
      %sub3A_397 = arith.subi %sub3A_396, %shift_right_arithmetic3A_395 : vector<16xi32>
      %bitcast3A_398 = vector.bitcast %sub3A_397 : vector<16xi32> to vector<16xf32>
      %mul3A_399 = arith.constant 5.000000e-01 : f32
      %mul3A_400 = vector.broadcast %mul3A_399 : f32 to vector<16xf32>
      %mul3A_401 = arith.mulf %gather3A, %mul3A_400 : vector<16xf32>
      %mul3A_402 = arith.mulf %mul3A_401, %bitcast3A_398 : vector<16xf32>
      %mul3A_403 = arith.mulf %mul3A_402, %bitcast3A_398 : vector<16xf32>
      %sub3A_404 = arith.constant 1.500000e+00 : f32
      %sub3A_405 = vector.broadcast %sub3A_404 : f32 to vector<16xf32>
      %sub3A_406 = arith.subf %sub3A_405, %mul3A_403 : vector<16xf32>
      %mul3A_407 = arith.mulf %bitcast3A_398, %sub3A_406 : vector<16xf32>
      %mul3A_408 = arith.mulf %mul3A_401, %mul3A_407 : vector<16xf32>
      %mul3A_409 = arith.mulf %mul3A_408, %mul3A_407 : vector<16xf32>
      %sub3A_410 = arith.constant 1.500000e+00 : f32
      %sub3A_411 = vector.broadcast %sub3A_410 : f32 to vector<16xf32>
      %sub3A_412 = arith.subf %sub3A_411, %mul3A_409 : vector<16xf32>
      %mul3A_413 = arith.mulf %mul3A_407, %sub3A_412 : vector<16xf32>
      %mul3A_414 = arith.mulf %gather3A, %mul3A_413 : vector<16xf32>
      %add3A_415 = arith.constant 1.000000e-07 : f32
      %add3A_416 = vector.broadcast %add3A_415 : f32 to vector<16xf32>
      %add3A_417 = arith.addf %mul3A_414, %add3A_416 : vector<16xf32>
      %div3A_418 = arith.constant 1.000000e+00 : f32
      %div3A_419 = vector.broadcast %div3A_418 : f32 to vector<16xf32>
      %div3A_420 = arith.divf %div3A_419, %add3A_417 : vector<16xf32>
      %broadcast_in_dim3A_421 = vector.broadcast %add3A_123 : i32 to vector<16xi32>
      %gather3A_422 = tpu.vector_load_idx %arg9[%broadcast_in_dim3A_421, %broadcast_in_dim3A_64] : memref<128x16xf32, #tpu.memory_space<vmem>>[vector<16xi32>, vector<16xi32>], vector<16xf32>,
      %bitcast3A_423 = vector.bitcast %gather3A_422 : vector<16xf32> to vector<16xi32>
      %shift_right_arithmetic3A_424 = arith.constant 1 : i32
      %shift_right_arithmetic3A_425 = vector.broadcast %shift_right_arithmetic3A_424 : i32 to vector<16xi32>
      %shift_right_arithmetic3A_426 = arith.shrsi %bitcast3A_423, %shift_right_arithmetic3A_425 : vector<16xi32>
      %sub3A_427 = arith.constant 1597463007 : i32
      %sub3A_428 = vector.broadcast %sub3A_427 : i32 to vector<16xi32>
      %sub3A_429 = arith.subi %sub3A_428, %shift_right_arithmetic3A_426 : vector<16xi32>
      %bitcast3A_430 = vector.bitcast %sub3A_429 : vector<16xi32> to vector<16xf32>
      %mul3A_431 = arith.constant 5.000000e-01 : f32
      %mul3A_432 = vector.broadcast %mul3A_431 : f32 to vector<16xf32>
      %mul3A_433 = arith.mulf %gather3A_422, %mul3A_432 : vector<16xf32>
      %mul3A_434 = arith.mulf %mul3A_433, %bitcast3A_430 : vector<16xf32>
      %mul3A_435 = arith.mulf %mul3A_434, %bitcast3A_430 : vector<16xf32>
      %sub3A_436 = arith.constant 1.500000e+00 : f32
      %sub3A_437 = vector.broadcast %sub3A_436 : f32 to vector<16xf32>
      %sub3A_438 = arith.subf %sub3A_437, %mul3A_435 : vector<16xf32>
      %mul3A_439 = arith.mulf %bitcast3A_430, %sub3A_438 : vector<16xf32>
      %mul3A_440 = arith.mulf %mul3A_433, %mul3A_439 : vector<16xf32>
      %mul3A_441 = arith.mulf %mul3A_440, %mul3A_439 : vector<16xf32>
      %sub3A_442 = arith.constant 1.500000e+00 : f32
      %sub3A_443 = vector.broadcast %sub3A_442 : f32 to vector<16xf32>
      %sub3A_444 = arith.subf %sub3A_443, %mul3A_441 : vector<16xf32>
      %mul3A_445 = arith.mulf %mul3A_439, %sub3A_444 : vector<16xf32>
      %mul3A_446 = arith.mulf %gather3A_422, %mul3A_445 : vector<16xf32>
      %add3A_447 = arith.constant 1.000000e-07 : f32
      %add3A_448 = vector.broadcast %add3A_447 : f32 to vector<16xf32>
      %add3A_449 = arith.addf %mul3A_446, %add3A_448 : vector<16xf32>
      %div3A_450 = arith.constant 1.000000e+00 : f32
      %div3A_451 = vector.broadcast %div3A_450 : f32 to vector<16xf32>
      %div3A_452 = arith.divf %div3A_451, %add3A_449 : vector<16xf32>
      %broadcast_in_dim3A_453 = vector.broadcast %add3A_128 : i32 to vector<16xi32>
      %gather3A_454 = tpu.vector_load_idx %arg9[%broadcast_in_dim3A_453, %broadcast_in_dim3A_64] : memref<128x16xf32, #tpu.memory_space<vmem>>[vector<16xi32>, vector<16xi32>], vector<16xf32>,
      %bitcast3A_455 = vector.bitcast %gather3A_454 : vector<16xf32> to vector<16xi32>
      %shift_right_arithmetic3A_456 = arith.constant 1 : i32
      %shift_right_arithmetic3A_457 = vector.broadcast %shift_right_arithmetic3A_456 : i32 to vector<16xi32>
      %shift_right_arithmetic3A_458 = arith.shrsi %bitcast3A_455, %shift_right_arithmetic3A_457 : vector<16xi32>
      %sub3A_459 = arith.constant 1597463007 : i32
      %sub3A_460 = vector.broadcast %sub3A_459 : i32 to vector<16xi32>
      %sub3A_461 = arith.subi %sub3A_460, %shift_right_arithmetic3A_458 : vector<16xi32>
      %bitcast3A_462 = vector.bitcast %sub3A_461 : vector<16xi32> to vector<16xf32>
      %mul3A_463 = arith.constant 5.000000e-01 : f32
      %mul3A_464 = vector.broadcast %mul3A_463 : f32 to vector<16xf32>
      %mul3A_465 = arith.mulf %gather3A_454, %mul3A_464 : vector<16xf32>
      %mul3A_466 = arith.mulf %mul3A_465, %bitcast3A_462 : vector<16xf32>
      %mul3A_467 = arith.mulf %mul3A_466, %bitcast3A_462 : vector<16xf32>
      %sub3A_468 = arith.constant 1.500000e+00 : f32
      %sub3A_469 = vector.broadcast %sub3A_468 : f32 to vector<16xf32>
      %sub3A_470 = arith.subf %sub3A_469, %mul3A_467 : vector<16xf32>
      %mul3A_471 = arith.mulf %bitcast3A_462, %sub3A_470 : vector<16xf32>
      %mul3A_472 = arith.mulf %mul3A_465, %mul3A_471 : vector<16xf32>
      %mul3A_473 = arith.mulf %mul3A_472, %mul3A_471 : vector<16xf32>
      %sub3A_474 = arith.constant 1.500000e+00 : f32
      %sub3A_475 = vector.broadcast %sub3A_474 : f32 to vector<16xf32>
      %sub3A_476 = arith.subf %sub3A_475, %mul3A_473 : vector<16xf32>
      %mul3A_477 = arith.mulf %mul3A_471, %sub3A_476 : vector<16xf32>
      %mul3A_478 = arith.mulf %gather3A_454, %mul3A_477 : vector<16xf32>
      %add3A_479 = arith.constant 1.000000e-07 : f32
      %add3A_480 = vector.broadcast %add3A_479 : f32 to vector<16xf32>
      %add3A_481 = arith.addf %mul3A_478, %add3A_480 : vector<16xf32>
      %div3A_482 = arith.constant 1.000000e+00 : f32
      %div3A_483 = vector.broadcast %div3A_482 : f32 to vector<16xf32>
      %div3A_484 = arith.divf %div3A_483, %add3A_481 : vector<16xf32>
      %broadcast_in_dim3A_485 = vector.broadcast %add3A_133 : i32 to vector<16xi32>
      %gather3A_486 = tpu.vector_load_idx %arg9[%broadcast_in_dim3A_485, %broadcast_in_dim3A_64] : memref<128x16xf32, #tpu.memory_space<vmem>>[vector<16xi32>, vector<16xi32>], vector<16xf32>,
      %bitcast3A_487 = vector.bitcast %gather3A_486 : vector<16xf32> to vector<16xi32>
      %shift_right_arithmetic3A_488 = arith.constant 1 : i32
      %shift_right_arithmetic3A_489 = vector.broadcast %shift_right_arithmetic3A_488 : i32 to vector<16xi32>
      %shift_right_arithmetic3A_490 = arith.shrsi %bitcast3A_487, %shift_right_arithmetic3A_489 : vector<16xi32>
      %sub3A_491 = arith.constant 1597463007 : i32
      %sub3A_492 = vector.broadcast %sub3A_491 : i32 to vector<16xi32>
      %sub3A_493 = arith.subi %sub3A_492, %shift_right_arithmetic3A_490 : vector<16xi32>
      %bitcast3A_494 = vector.bitcast %sub3A_493 : vector<16xi32> to vector<16xf32>
      %mul3A_495 = arith.constant 5.000000e-01 : f32
      %mul3A_496 = vector.broadcast %mul3A_495 : f32 to vector<16xf32>
      %mul3A_497 = arith.mulf %gather3A_486, %mul3A_496 : vector<16xf32>
      %mul3A_498 = arith.mulf %mul3A_497, %bitcast3A_494 : vector<16xf32>
      %mul3A_499 = arith.mulf %mul3A_498, %bitcast3A_494 : vector<16xf32>
      %sub3A_500 = arith.constant 1.500000e+00 : f32
      %sub3A_501 = vector.broadcast %sub3A_500 : f32 to vector<16xf32>
      %sub3A_502 = arith.subf %sub3A_501, %mul3A_499 : vector<16xf32>
      %mul3A_503 = arith.mulf %bitcast3A_494, %sub3A_502 : vector<16xf32>
      %mul3A_504 = arith.mulf %mul3A_497, %mul3A_503 : vector<16xf32>
      %mul3A_505 = arith.mulf %mul3A_504, %mul3A_503 : vector<16xf32>
      %sub3A_506 = arith.constant 1.500000e+00 : f32
      %sub3A_507 = vector.broadcast %sub3A_506 : f32 to vector<16xf32>
      %sub3A_508 = arith.subf %sub3A_507, %mul3A_505 : vector<16xf32>
      %mul3A_509 = arith.mulf %mul3A_503, %sub3A_508 : vector<16xf32>
      %mul3A_510 = arith.mulf %gather3A_486, %mul3A_509 : vector<16xf32>
      %add3A_511 = arith.constant 1.000000e-07 : f32
      %add3A_512 = vector.broadcast %add3A_511 : f32 to vector<16xf32>
      %add3A_513 = arith.addf %mul3A_510, %add3A_512 : vector<16xf32>
      %div3A_514 = arith.constant 1.000000e+00 : f32
      %div3A_515 = vector.broadcast %div3A_514 : f32 to vector<16xf32>
      %div3A_516 = arith.divf %div3A_515, %add3A_513 : vector<16xf32>
      %mul3A_517 = arith.mulf %get3A_136, %div3A_420 : vector<16xf32>
      %swap3A_518 = arith.index_cast %add3A_118 : i32 to index
      %swap3A_519 = arith.constant 0 : index
      %swap3A_520 = tpu.vector_load %arg10[%swap3A_518, %swap3A_519] {strides = array<i32>} : memref<128x256xf32, #tpu.memory_space<vmem>>, vector<16xf32>,
      tpu.vector_store %arg10[%swap3A_518, %swap3A_519], %mul3A_517 {strides = array<i32>} : memref<128x256xf32, #tpu.memory_space<vmem>>, vector<16xf32>,
      %mul3A_521 = arith.mulf %get3A_139, %div3A_420 : vector<16xf32>
      %swap3A_522 = arith.index_cast %add3A_118 : i32 to index
      %swap3A_523 = arith.constant 16 : index
      %swap3A_524 = tpu.vector_load %arg10[%swap3A_522, %swap3A_523] {strides = array<i32>} : memref<128x256xf32, #tpu.memory_space<vmem>>, vector<16xf32>,
      tpu.vector_store %arg10[%swap3A_522, %swap3A_523], %mul3A_521 {strides = array<i32>} : memref<128x256xf32, #tpu.memory_space<vmem>>, vector<16xf32>,
      %mul3A_525 = arith.mulf %get3A_142, %div3A_420 : vector<16xf32>
      %swap3A_526 = arith.index_cast %add3A_118 : i32 to index
      %swap3A_527 = arith.constant 32 : index
      %swap3A_528 = tpu.vector_load %arg10[%swap3A_526, %swap3A_527] {strides = array<i32>} : memref<128x256xf32, #tpu.memory_space<vmem>>, vector<16xf32>,
      tpu.vector_store %arg10[%swap3A_526, %swap3A_527], %mul3A_525 {strides = array<i32>} : memref<128x256xf32, #tpu.memory_space<vmem>>, vector<16xf32>,
      %mul3A_529 = arith.mulf %get3A_145, %div3A_420 : vector<16xf32>
      %swap3A_530 = arith.index_cast %add3A_118 : i32 to index
      %swap3A_531 = arith.constant 48 : index
      %swap3A_532 = tpu.vector_load %arg10[%swap3A_530, %swap3A_531] {strides = array<i32>} : memref<128x256xf32, #tpu.memory_space<vmem>>, vector<16xf32>,
      tpu.vector_store %arg10[%swap3A_530, %swap3A_531], %mul3A_529 {strides = array<i32>} : memref<128x256xf32, #tpu.memory_space<vmem>>, vector<16xf32>,
      %mul3A_533 = arith.mulf %get3A_148, %div3A_420 : vector<16xf32>
      %swap3A_534 = arith.index_cast %add3A_118 : i32 to index
      %swap3A_535 = arith.constant 64 : index
      %swap3A_536 = tpu.vector_load %arg10[%swap3A_534, %swap3A_535] {strides = array<i32>} : memref<128x256xf32, #tpu.memory_space<vmem>>, vector<16xf32>,
      tpu.vector_store %arg10[%swap3A_534, %swap3A_535], %mul3A_533 {strides = array<i32>} : memref<128x256xf32, #tpu.memory_space<vmem>>, vector<16xf32>,
      %mul3A_537 = arith.mulf %get3A_151, %div3A_420 : vector<16xf32>
      %swap3A_538 = arith.index_cast %add3A_118 : i32 to index
      %swap3A_539 = arith.constant 80 : index
      %swap3A_540 = tpu.vector_load %arg10[%swap3A_538, %swap3A_539] {strides = array<i32>} : memref<128x256xf32, #tpu.memory_space<vmem>>, vector<16xf32>,
      tpu.vector_store %arg10[%swap3A_538, %swap3A_539], %mul3A_537 {strides = array<i32>} : memref<128x256xf32, #tpu.memory_space<vmem>>, vector<16xf32>,
      %mul3A_541 = arith.mulf %get3A_154, %div3A_420 : vector<16xf32>
      %swap3A_542 = arith.index_cast %add3A_118 : i32 to index
      %swap3A_543 = arith.constant 96 : index
      %swap3A_544 = tpu.vector_load %arg10[%swap3A_542, %swap3A_543] {strides = array<i32>} : memref<128x256xf32, #tpu.memory_space<vmem>>, vector<16xf32>,
      tpu.vector_store %arg10[%swap3A_542, %swap3A_543], %mul3A_541 {strides = array<i32>} : memref<128x256xf32, #tpu.memory_space<vmem>>, vector<16xf32>,
      %mul3A_545 = arith.mulf %get3A_157, %div3A_420 : vector<16xf32>
      %swap3A_546 = arith.index_cast %add3A_118 : i32 to index
      %swap3A_547 = arith.constant 112 : index
      %swap3A_548 = tpu.vector_load %arg10[%swap3A_546, %swap3A_547] {strides = array<i32>} : memref<128x256xf32, #tpu.memory_space<vmem>>, vector<16xf32>,
      tpu.vector_store %arg10[%swap3A_546, %swap3A_547], %mul3A_545 {strides = array<i32>} : memref<128x256xf32, #tpu.memory_space<vmem>>, vector<16xf32>,
      %mul3A_549 = arith.mulf %get3A_160, %div3A_420 : vector<16xf32>
      %swap3A_550 = arith.index_cast %add3A_118 : i32 to index
      %swap3A_551 = arith.constant 128 : index
      %swap3A_552 = tpu.vector_load %arg10[%swap3A_550, %swap3A_551] {strides = array<i32>} : memref<128x256xf32, #tpu.memory_space<vmem>>, vector<16xf32>,
      tpu.vector_store %arg10[%swap3A_550, %swap3A_551], %mul3A_549 {strides = array<i32>} : memref<128x256xf32, #tpu.memory_space<vmem>>, vector<16xf32>,
      %mul3A_553 = arith.mulf %get3A_163, %div3A_420 : vector<16xf32>
      %swap3A_554 = arith.index_cast %add3A_118 : i32 to index
      %swap3A_555 = arith.constant 144 : index
      %swap3A_556 = tpu.vector_load %arg10[%swap3A_554, %swap3A_555] {strides = array<i32>} : memref<128x256xf32, #tpu.memory_space<vmem>>, vector<16xf32>,
      tpu.vector_store %arg10[%swap3A_554, %swap3A_555], %mul3A_553 {strides = array<i32>} : memref<128x256xf32, #tpu.memory_space<vmem>>, vector<16xf32>,
      %mul3A_557 = arith.mulf %get3A_166, %div3A_420 : vector<16xf32>
      %swap3A_558 = arith.index_cast %add3A_118 : i32 to index
      %swap3A_559 = arith.constant 160 : index
      %swap3A_560 = tpu.vector_load %arg10[%swap3A_558, %swap3A_559] {strides = array<i32>} : memref<128x256xf32, #tpu.memory_space<vmem>>, vector<16xf32>,
      tpu.vector_store %arg10[%swap3A_558, %swap3A_559], %mul3A_557 {strides = array<i32>} : memref<128x256xf32, #tpu.memory_space<vmem>>, vector<16xf32>,
      %mul3A_561 = arith.mulf %get3A_169, %div3A_420 : vector<16xf32>
      %swap3A_562 = arith.index_cast %add3A_118 : i32 to index
      %swap3A_563 = arith.constant 176 : index
      %swap3A_564 = tpu.vector_load %arg10[%swap3A_562, %swap3A_563] {strides = array<i32>} : memref<128x256xf32, #tpu.memory_space<vmem>>, vector<16xf32>,
      tpu.vector_store %arg10[%swap3A_562, %swap3A_563], %mul3A_561 {strides = array<i32>} : memref<128x256xf32, #tpu.memory_space<vmem>>, vector<16xf32>,
      %mul3A_565 = arith.mulf %get3A_200, %div3A_452 : vector<16xf32>
      %swap3A_566 = arith.index_cast %add3A_123 : i32 to index
      %swap3A_567 = arith.constant 0 : index
      %swap3A_568 = tpu.vector_load %arg10[%swap3A_566, %swap3A_567] {strides = array<i32>} : memref<128x256xf32, #tpu.memory_space<vmem>>, vector<16xf32>,
      tpu.vector_store %arg10[%swap3A_566, %swap3A_567], %mul3A_565 {strides = array<i32>} : memref<128x256xf32, #tpu.memory_space<vmem>>, vector<16xf32>,
      %mul3A_569 = arith.mulf %get3A_203, %div3A_452 : vector<16xf32>
      %swap3A_570 = arith.index_cast %add3A_123 : i32 to index
      %swap3A_571 = arith.constant 16 : index
      %swap3A_572 = tpu.vector_load %arg10[%swap3A_570, %swap3A_571] {strides = array<i32>} : memref<128x256xf32, #tpu.memory_space<vmem>>, vector<16xf32>,
      tpu.vector_store %arg10[%swap3A_570, %swap3A_571], %mul3A_569 {strides = array<i32>} : memref<128x256xf32, #tpu.memory_space<vmem>>, vector<16xf32>,
      %mul3A_573 = arith.mulf %get3A_206, %div3A_452 : vector<16xf32>
      %swap3A_574 = arith.index_cast %add3A_123 : i32 to index
      %swap3A_575 = arith.constant 32 : index
      %swap3A_576 = tpu.vector_load %arg10[%swap3A_574, %swap3A_575] {strides = array<i32>} : memref<128x256xf32, #tpu.memory_space<vmem>>, vector<16xf32>,
      tpu.vector_store %arg10[%swap3A_574, %swap3A_575], %mul3A_573 {strides = array<i32>} : memref<128x256xf32, #tpu.memory_space<vmem>>, vector<16xf32>,
      %mul3A_577 = arith.mulf %get3A_209, %div3A_452 : vector<16xf32>
      %swap3A_578 = arith.index_cast %add3A_123 : i32 to index
      %swap3A_579 = arith.constant 48 : index
      %swap3A_580 = tpu.vector_load %arg10[%swap3A_578, %swap3A_579] {strides = array<i32>} : memref<128x256xf32, #tpu.memory_space<vmem>>, vector<16xf32>,
      tpu.vector_store %arg10[%swap3A_578, %swap3A_579], %mul3A_577 {strides = array<i32>} : memref<128x256xf32, #tpu.memory_space<vmem>>, vector<16xf32>,
      %mul3A_581 = arith.mulf %get3A_212, %div3A_452 : vector<16xf32>
      %swap3A_582 = arith.index_cast %add3A_123 : i32 to index
      %swap3A_583 = arith.constant 64 : index
      %swap3A_584 = tpu.vector_load %arg10[%swap3A_582, %swap3A_583] {strides = array<i32>} : memref<128x256xf32, #tpu.memory_space<vmem>>, vector<16xf32>,
      tpu.vector_store %arg10[%swap3A_582, %swap3A_583], %mul3A_581 {strides = array<i32>} : memref<128x256xf32, #tpu.memory_space<vmem>>, vector<16xf32>,
      %mul3A_585 = arith.mulf %get3A_215, %div3A_452 : vector<16xf32>
      %swap3A_586 = arith.index_cast %add3A_123 : i32 to index
      %swap3A_587 = arith.constant 80 : index
      %swap3A_588 = tpu.vector_load %arg10[%swap3A_586, %swap3A_587] {strides = array<i32>} : memref<128x256xf32, #tpu.memory_space<vmem>>, vector<16xf32>,
      tpu.vector_store %arg10[%swap3A_586, %swap3A_587], %mul3A_585 {strides = array<i32>} : memref<128x256xf32, #tpu.memory_space<vmem>>, vector<16xf32>,
      %mul3A_589 = arith.mulf %get3A_218, %div3A_452 : vector<16xf32>
      %swap3A_590 = arith.index_cast %add3A_123 : i32 to index
      %swap3A_591 = arith.constant 96 : index
      %swap3A_592 = tpu.vector_load %arg10[%swap3A_590, %swap3A_591] {strides = array<i32>} : memref<128x256xf32, #tpu.memory_space<vmem>>, vector<16xf32>,
      tpu.vector_store %arg10[%swap3A_590, %swap3A_591], %mul3A_589 {strides = array<i32>} : memref<128x256xf32, #tpu.memory_space<vmem>>, vector<16xf32>,
      %mul3A_593 = arith.mulf %get3A_221, %div3A_452 : vector<16xf32>
      %swap3A_594 = arith.index_cast %add3A_123 : i32 to index
      %swap3A_595 = arith.constant 112 : index
      %swap3A_596 = tpu.vector_load %arg10[%swap3A_594, %swap3A_595] {strides = array<i32>} : memref<128x256xf32, #tpu.memory_space<vmem>>, vector<16xf32>,
      tpu.vector_store %arg10[%swap3A_594, %swap3A_595], %mul3A_593 {strides = array<i32>} : memref<128x256xf32, #tpu.memory_space<vmem>>, vector<16xf32>,
      %mul3A_597 = arith.mulf %get3A_224, %div3A_452 : vector<16xf32>
      %swap3A_598 = arith.index_cast %add3A_123 : i32 to index
      %swap3A_599 = arith.constant 128 : index
      %swap3A_600 = tpu.vector_load %arg10[%swap3A_598, %swap3A_599] {strides = array<i32>} : memref<128x256xf32, #tpu.memory_space<vmem>>, vector<16xf32>,
      tpu.vector_store %arg10[%swap3A_598, %swap3A_599], %mul3A_597 {strides = array<i32>} : memref<128x256xf32, #tpu.memory_space<vmem>>, vector<16xf32>,
      %mul3A_601 = arith.mulf %get3A_227, %div3A_452 : vector<16xf32>
      %swap3A_602 = arith.index_cast %add3A_123 : i32 to index
      %swap3A_603 = arith.constant 144 : index
      %swap3A_604 = tpu.vector_load %arg10[%swap3A_602, %swap3A_603] {strides = array<i32>} : memref<128x256xf32, #tpu.memory_space<vmem>>, vector<16xf32>,
      tpu.vector_store %arg10[%swap3A_602, %swap3A_603], %mul3A_601 {strides = array<i32>} : memref<128x256xf32, #tpu.memory_space<vmem>>, vector<16xf32>,
      %mul3A_605 = arith.mulf %get3A_230, %div3A_452 : vector<16xf32>
      %swap3A_606 = arith.index_cast %add3A_123 : i32 to index
      %swap3A_607 = arith.constant 160 : index
      %swap3A_608 = tpu.vector_load %arg10[%swap3A_606, %swap3A_607] {strides = array<i32>} : memref<128x256xf32, #tpu.memory_space<vmem>>, vector<16xf32>,
      tpu.vector_store %arg10[%swap3A_606, %swap3A_607], %mul3A_605 {strides = array<i32>} : memref<128x256xf32, #tpu.memory_space<vmem>>, vector<16xf32>,
      %mul3A_609 = arith.mulf %get3A_233, %div3A_452 : vector<16xf32>
      %swap3A_610 = arith.index_cast %add3A_123 : i32 to index
      %swap3A_611 = arith.constant 176 : index
      %swap3A_612 = tpu.vector_load %arg10[%swap3A_610, %swap3A_611] {strides = array<i32>} : memref<128x256xf32, #tpu.memory_space<vmem>>, vector<16xf32>,
      tpu.vector_store %arg10[%swap3A_610, %swap3A_611], %mul3A_609 {strides = array<i32>} : memref<128x256xf32, #tpu.memory_space<vmem>>, vector<16xf32>,
      %mul3A_613 = arith.mulf %get3A_265, %div3A_484 : vector<16xf32>
      %swap3A_614 = arith.index_cast %add3A_128 : i32 to index
      %swap3A_615 = arith.constant 0 : index
      %swap3A_616 = tpu.vector_load %arg10[%swap3A_614, %swap3A_615] {strides = array<i32>} : memref<128x256xf32, #tpu.memory_space<vmem>>, vector<16xf32>,
      tpu.vector_store %arg10[%swap3A_614, %swap3A_615], %mul3A_613 {strides = array<i32>} : memref<128x256xf32, #tpu.memory_space<vmem>>, vector<16xf32>,
      %mul3A_617 = arith.mulf %get3A_268, %div3A_484 : vector<16xf32>
      %swap3A_618 = arith.index_cast %add3A_128 : i32 to index
      %swap3A_619 = arith.constant 16 : index
      %swap3A_620 = tpu.vector_load %arg10[%swap3A_618, %swap3A_619] {strides = array<i32>} : memref<128x256xf32, #tpu.memory_space<vmem>>, vector<16xf32>,
      tpu.vector_store %arg10[%swap3A_618, %swap3A_619], %mul3A_617 {strides = array<i32>} : memref<128x256xf32, #tpu.memory_space<vmem>>, vector<16xf32>,
      %mul3A_621 = arith.mulf %get3A_271, %div3A_484 : vector<16xf32>
      %swap3A_622 = arith.index_cast %add3A_128 : i32 to index
      %swap3A_623 = arith.constant 32 : index
      %swap3A_624 = tpu.vector_load %arg10[%swap3A_622, %swap3A_623] {strides = array<i32>} : memref<128x256xf32, #tpu.memory_space<vmem>>, vector<16xf32>,
      tpu.vector_store %arg10[%swap3A_622, %swap3A_623], %mul3A_621 {strides = array<i32>} : memref<128x256xf32, #tpu.memory_space<vmem>>, vector<16xf32>,
      %mul3A_625 = arith.mulf %get3A_274, %div3A_484 : vector<16xf32>
      %swap3A_626 = arith.index_cast %add3A_128 : i32 to index
      %swap3A_627 = arith.constant 48 : index
      %swap3A_628 = tpu.vector_load %arg10[%swap3A_626, %swap3A_627] {strides = array<i32>} : memref<128x256xf32, #tpu.memory_space<vmem>>, vector<16xf32>,
      tpu.vector_store %arg10[%swap3A_626, %swap3A_627], %mul3A_625 {strides = array<i32>} : memref<128x256xf32, #tpu.memory_space<vmem>>, vector<16xf32>,
      %mul3A_629 = arith.mulf %get3A_277, %div3A_484 : vector<16xf32>
      %swap3A_630 = arith.index_cast %add3A_128 : i32 to index
      %swap3A_631 = arith.constant 64 : index
      %swap3A_632 = tpu.vector_load %arg10[%swap3A_630, %swap3A_631] {strides = array<i32>} : memref<128x256xf32, #tpu.memory_space<vmem>>, vector<16xf32>,
      tpu.vector_store %arg10[%swap3A_630, %swap3A_631], %mul3A_629 {strides = array<i32>} : memref<128x256xf32, #tpu.memory_space<vmem>>, vector<16xf32>,
      %mul3A_633 = arith.mulf %get3A_280, %div3A_484 : vector<16xf32>
      %swap3A_634 = arith.index_cast %add3A_128 : i32 to index
      %swap3A_635 = arith.constant 80 : index
      %swap3A_636 = tpu.vector_load %arg10[%swap3A_634, %swap3A_635] {strides = array<i32>} : memref<128x256xf32, #tpu.memory_space<vmem>>, vector<16xf32>,
      tpu.vector_store %arg10[%swap3A_634, %swap3A_635], %mul3A_633 {strides = array<i32>} : memref<128x256xf32, #tpu.memory_space<vmem>>, vector<16xf32>,
      %mul3A_637 = arith.mulf %get3A_283, %div3A_484 : vector<16xf32>
      %swap3A_638 = arith.index_cast %add3A_128 : i32 to index
      %swap3A_639 = arith.constant 96 : index
      %swap3A_640 = tpu.vector_load %arg10[%swap3A_638, %swap3A_639] {strides = array<i32>} : memref<128x256xf32, #tpu.memory_space<vmem>>, vector<16xf32>,
      tpu.vector_store %arg10[%swap3A_638, %swap3A_639], %mul3A_637 {strides = array<i32>} : memref<128x256xf32, #tpu.memory_space<vmem>>, vector<16xf32>,
      %mul3A_641 = arith.mulf %get3A_286, %div3A_484 : vector<16xf32>
      %swap3A_642 = arith.index_cast %add3A_128 : i32 to index
      %swap3A_643 = arith.constant 112 : index
      %swap3A_644 = tpu.vector_load %arg10[%swap3A_642, %swap3A_643] {strides = array<i32>} : memref<128x256xf32, #tpu.memory_space<vmem>>, vector<16xf32>,
      tpu.vector_store %arg10[%swap3A_642, %swap3A_643], %mul3A_641 {strides = array<i32>} : memref<128x256xf32, #tpu.memory_space<vmem>>, vector<16xf32>,
      %mul3A_645 = arith.mulf %get3A_289, %div3A_484 : vector<16xf32>
      %swap3A_646 = arith.index_cast %add3A_128 : i32 to index
      %swap3A_647 = arith.constant 128 : index
      %swap3A_648 = tpu.vector_load %arg10[%swap3A_646, %swap3A_647] {strides = array<i32>} : memref<128x256xf32, #tpu.memory_space<vmem>>, vector<16xf32>,
      tpu.vector_store %arg10[%swap3A_646, %swap3A_647], %mul3A_645 {strides = array<i32>} : memref<128x256xf32, #tpu.memory_space<vmem>>, vector<16xf32>,
      %mul3A_649 = arith.mulf %get3A_292, %div3A_484 : vector<16xf32>
      %swap3A_650 = arith.index_cast %add3A_128 : i32 to index
      %swap3A_651 = arith.constant 144 : index
      %swap3A_652 = tpu.vector_load %arg10[%swap3A_650, %swap3A_651] {strides = array<i32>} : memref<128x256xf32, #tpu.memory_space<vmem>>, vector<16xf32>,
      tpu.vector_store %arg10[%swap3A_650, %swap3A_651], %mul3A_649 {strides = array<i32>} : memref<128x256xf32, #tpu.memory_space<vmem>>, vector<16xf32>,
      %mul3A_653 = arith.mulf %get3A_295, %div3A_484 : vector<16xf32>
      %swap3A_654 = arith.index_cast %add3A_128 : i32 to index
      %swap3A_655 = arith.constant 160 : index
      %swap3A_656 = tpu.vector_load %arg10[%swap3A_654, %swap3A_655] {strides = array<i32>} : memref<128x256xf32, #tpu.memory_space<vmem>>, vector<16xf32>,
      tpu.vector_store %arg10[%swap3A_654, %swap3A_655], %mul3A_653 {strides = array<i32>} : memref<128x256xf32, #tpu.memory_space<vmem>>, vector<16xf32>,
      %mul3A_657 = arith.mulf %get3A_298, %div3A_484 : vector<16xf32>
      %swap3A_658 = arith.index_cast %add3A_128 : i32 to index
      %swap3A_659 = arith.constant 176 : index
      %swap3A_660 = tpu.vector_load %arg10[%swap3A_658, %swap3A_659] {strides = array<i32>} : memref<128x256xf32, #tpu.memory_space<vmem>>, vector<16xf32>,
      tpu.vector_store %arg10[%swap3A_658, %swap3A_659], %mul3A_657 {strides = array<i32>} : memref<128x256xf32, #tpu.memory_space<vmem>>, vector<16xf32>,
      %mul3A_661 = arith.mulf %get3A_330, %div3A_516 : vector<16xf32>
      %swap3A_662 = arith.index_cast %add3A_133 : i32 to index
      %swap3A_663 = arith.constant 0 : index
      %swap3A_664 = tpu.vector_load %arg10[%swap3A_662, %swap3A_663] {strides = array<i32>} : memref<128x256xf32, #tpu.memory_space<vmem>>, vector<16xf32>,
      tpu.vector_store %arg10[%swap3A_662, %swap3A_663], %mul3A_661 {strides = array<i32>} : memref<128x256xf32, #tpu.memory_space<vmem>>, vector<16xf32>,
      %mul3A_665 = arith.mulf %get3A_333, %div3A_516 : vector<16xf32>
      %swap3A_666 = arith.index_cast %add3A_133 : i32 to index
      %swap3A_667 = arith.constant 16 : index
      %swap3A_668 = tpu.vector_load %arg10[%swap3A_666, %swap3A_667] {strides = array<i32>} : memref<128x256xf32, #tpu.memory_space<vmem>>, vector<16xf32>,
      tpu.vector_store %arg10[%swap3A_666, %swap3A_667], %mul3A_665 {strides = array<i32>} : memref<128x256xf32, #tpu.memory_space<vmem>>, vector<16xf32>,
      %mul3A_669 = arith.mulf %get3A_336, %div3A_516 : vector<16xf32>
      %swap3A_670 = arith.index_cast %add3A_133 : i32 to index
      %swap3A_671 = arith.constant 32 : index
      %swap3A_672 = tpu.vector_load %arg10[%swap3A_670, %swap3A_671] {strides = array<i32>} : memref<128x256xf32, #tpu.memory_space<vmem>>, vector<16xf32>,
      tpu.vector_store %arg10[%swap3A_670, %swap3A_671], %mul3A_669 {strides = array<i32>} : memref<128x256xf32, #tpu.memory_space<vmem>>, vector<16xf32>,
      %mul3A_673 = arith.mulf %get3A_339, %div3A_516 : vector<16xf32>
      %swap3A_674 = arith.index_cast %add3A_133 : i32 to index
      %swap3A_675 = arith.constant 48 : index
      %swap3A_676 = tpu.vector_load %arg10[%swap3A_674, %swap3A_675] {strides = array<i32>} : memref<128x256xf32, #tpu.memory_space<vmem>>, vector<16xf32>,
      tpu.vector_store %arg10[%swap3A_674, %swap3A_675], %mul3A_673 {strides = array<i32>} : memref<128x256xf32, #tpu.memory_space<vmem>>, vector<16xf32>,
      %mul3A_677 = arith.mulf %get3A_342, %div3A_516 : vector<16xf32>
      %swap3A_678 = arith.index_cast %add3A_133 : i32 to index
      %swap3A_679 = arith.constant 64 : index
      %swap3A_680 = tpu.vector_load %arg10[%swap3A_678, %swap3A_679] {strides = array<i32>} : memref<128x256xf32, #tpu.memory_space<vmem>>, vector<16xf32>,
      tpu.vector_store %arg10[%swap3A_678, %swap3A_679], %mul3A_677 {strides = array<i32>} : memref<128x256xf32, #tpu.memory_space<vmem>>, vector<16xf32>,
      %mul3A_681 = arith.mulf %get3A_345, %div3A_516 : vector<16xf32>
      %swap3A_682 = arith.index_cast %add3A_133 : i32 to index
      %swap3A_683 = arith.constant 80 : index
      %swap3A_684 = tpu.vector_load %arg10[%swap3A_682, %swap3A_683] {strides = array<i32>} : memref<128x256xf32, #tpu.memory_space<vmem>>, vector<16xf32>,
      tpu.vector_store %arg10[%swap3A_682, %swap3A_683], %mul3A_681 {strides = array<i32>} : memref<128x256xf32, #tpu.memory_space<vmem>>, vector<16xf32>,
      %mul3A_685 = arith.mulf %get3A_348, %div3A_516 : vector<16xf32>
      %swap3A_686 = arith.index_cast %add3A_133 : i32 to index
      %swap3A_687 = arith.constant 96 : index
      %swap3A_688 = tpu.vector_load %arg10[%swap3A_686, %swap3A_687] {strides = array<i32>} : memref<128x256xf32, #tpu.memory_space<vmem>>, vector<16xf32>,
      tpu.vector_store %arg10[%swap3A_686, %swap3A_687], %mul3A_685 {strides = array<i32>} : memref<128x256xf32, #tpu.memory_space<vmem>>, vector<16xf32>,
      %mul3A_689 = arith.mulf %get3A_351, %div3A_516 : vector<16xf32>
      %swap3A_690 = arith.index_cast %add3A_133 : i32 to index
      %swap3A_691 = arith.constant 112 : index
      %swap3A_692 = tpu.vector_load %arg10[%swap3A_690, %swap3A_691] {strides = array<i32>} : memref<128x256xf32, #tpu.memory_space<vmem>>, vector<16xf32>,
      tpu.vector_store %arg10[%swap3A_690, %swap3A_691], %mul3A_689 {strides = array<i32>} : memref<128x256xf32, #tpu.memory_space<vmem>>, vector<16xf32>,
      %mul3A_693 = arith.mulf %get3A_354, %div3A_516 : vector<16xf32>
      %swap3A_694 = arith.index_cast %add3A_133 : i32 to index
      %swap3A_695 = arith.constant 128 : index
      %swap3A_696 = tpu.vector_load %arg10[%swap3A_694, %swap3A_695] {strides = array<i32>} : memref<128x256xf32, #tpu.memory_space<vmem>>, vector<16xf32>,
      tpu.vector_store %arg10[%swap3A_694, %swap3A_695], %mul3A_693 {strides = array<i32>} : memref<128x256xf32, #tpu.memory_space<vmem>>, vector<16xf32>,
      %mul3A_697 = arith.mulf %get3A_357, %div3A_516 : vector<16xf32>
      %swap3A_698 = arith.index_cast %add3A_133 : i32 to index
      %swap3A_699 = arith.constant 144 : index
      %swap3A_700 = tpu.vector_load %arg10[%swap3A_698, %swap3A_699] {strides = array<i32>} : memref<128x256xf32, #tpu.memory_space<vmem>>, vector<16xf32>,
      tpu.vector_store %arg10[%swap3A_698, %swap3A_699], %mul3A_697 {strides = array<i32>} : memref<128x256xf32, #tpu.memory_space<vmem>>, vector<16xf32>,
      %mul3A_701 = arith.mulf %get3A_360, %div3A_516 : vector<16xf32>
      %swap3A_702 = arith.index_cast %add3A_133 : i32 to index
      %swap3A_703 = arith.constant 160 : index
      %swap3A_704 = tpu.vector_load %arg10[%swap3A_702, %swap3A_703] {strides = array<i32>} : memref<128x256xf32, #tpu.memory_space<vmem>>, vector<16xf32>,
      tpu.vector_store %arg10[%swap3A_702, %swap3A_703], %mul3A_701 {strides = array<i32>} : memref<128x256xf32, #tpu.memory_space<vmem>>, vector<16xf32>,
      %mul3A_705 = arith.mulf %get3A_363, %div3A_516 : vector<16xf32>
      %swap3A_706 = arith.index_cast %add3A_133 : i32 to index
      %swap3A_707 = arith.constant 176 : index
      %swap3A_708 = tpu.vector_load %arg10[%swap3A_706, %swap3A_707] {strides = array<i32>} : memref<128x256xf32, #tpu.memory_space<vmem>>, vector<16xf32>,
      tpu.vector_store %arg10[%swap3A_706, %swap3A_707], %mul3A_705 {strides = array<i32>} : memref<128x256xf32, #tpu.memory_space<vmem>>, vector<16xf32>,
    }
    %scan3A_98 = arith.constant 16 : i32
    %mul3A_99 = arith.constant 128 : i32
    %mul3A_100 = arith.muli %add3A, %mul3A_99 : i32
    %add3A_101 = arith.constant 64 : i32
    %add3A_102 = arith.addi %mul3A_100, %add3A_101 : i32
    "tpu.region"() ({
      %run_scoped3A = tpu.sem_alloc : memref<!tpu.dma_semaphore, #tpu.memory_space<semaphore_mem>>
      %dma_start3A_113 = arith.constant 64 : i32
      %dma_start3A_114 = arith.constant 0 : i32
      %dma_start3A_115 = tpu.memref_slice %arg10[%dma_start3A_113, %dma_start3A_114] : memref<128x256xf32, #tpu.memory_space<vmem>> -> memref<64x256xf32, #tpu.memory_space<vmem>>
      %dma_start3A_116 = arith.constant 0 : i32
      %dma_start3A_117 = tpu.memref_slice %arg4[%add3A_102, %dma_start3A_116] : memref<4096x256xf32, #tpu.memory_space<hbm>> -> memref<64x256xf32, #tpu.memory_space<hbm>>
      %dma_start3A_118 = arith.constant 0 : i32
      %dma_start3A_119 = tpu.memref_slice %arg4[%add3A_102, %dma_start3A_118] : memref<4096x256xf32, #tpu.memory_space<hbm>> -> memref<64x256xf32, #tpu.memory_space<hbm>>
      %dma_start3A_120 = arith.constant 64 : i32
      %dma_start3A_121 = arith.constant 0 : i32
      %dma_start3A_122 = tpu.memref_slice %arg10[%dma_start3A_120, %dma_start3A_121] : memref<128x256xf32, #tpu.memory_space<vmem>> -> memref<64x256xf32, #tpu.memory_space<vmem>>
      tpu.enqueue_dma source(%dma_start3A_122 : memref<64x256xf32, #tpu.memory_space<vmem>>) target(%dma_start3A_119 : memref<64x256xf32, #tpu.memory_space<hbm>>) target_semaphore(%run_scoped3A : memref<!tpu.dma_semaphore, #tpu.memory_space<semaphore_mem>>)
      %dma_wait3A_123 = arith.constant 64 : i32
      %dma_wait3A_124 = arith.constant 0 : i32
      %dma_wait3A_125 = tpu.memref_slice %arg10[%dma_wait3A_123, %dma_wait3A_124] : memref<128x256xf32, #tpu.memory_space<vmem>> -> memref<64x256xf32, #tpu.memory_space<vmem>>
      %dma_wait3A_126 = arith.constant 0 : i32
      %dma_wait3A_127 = tpu.memref_slice %arg4[%add3A_102, %dma_wait3A_126] : memref<4096x256xf32, #tpu.memory_space<hbm>> -> memref<64x256xf32, #tpu.memory_space<hbm>>
      %dma_wait3A_128 = arith.constant 0 : i32
      %dma_wait3A_129 = tpu.memref_slice %arg4[%add3A_102, %dma_wait3A_128] : memref<4096x256xf32, #tpu.memory_space<hbm>> -> memref<64x256xf32, #tpu.memory_space<hbm>>
      %dma_wait3A_130 = arith.constant 64 : i32
      %dma_wait3A_131 = arith.constant 0 : i32
      %dma_wait3A_132 = tpu.memref_slice %arg10[%dma_wait3A_130, %dma_wait3A_131] : memref<128x256xf32, #tpu.memory_space<vmem>> -> memref<64x256xf32, #tpu.memory_space<vmem>>
      tpu.wait_dma2 semaphore(%run_scoped3A : memref<!tpu.dma_semaphore, #tpu.memory_space<semaphore_mem>>) src(%dma_wait3A_132 : memref<64x256xf32, #tpu.memory_space<vmem>>) dst(%dma_wait3A_129 : memref<64x256xf32, #tpu.memory_space<hbm>>)
      tpu.yield
    }) : () -> ()
    %dma_wait3A_103 = arith.constant 0 : i32
    %dma_wait3A_104 = arith.constant 0 : i32
    %dma_wait3A_105 = tpu.memref_slice %arg10[%dma_wait3A_103, %dma_wait3A_104] : memref<128x256xf32, #tpu.memory_space<vmem>> -> memref<64x256xf32, #tpu.memory_space<vmem>>
    %dma_wait3A_106 = arith.constant 0 : i32
    %dma_wait3A_107 = tpu.memref_slice %arg4[%mul3A_76, %dma_wait3A_106] : memref<4096x256xf32, #tpu.memory_space<hbm>> -> memref<64x256xf32, #tpu.memory_space<hbm>>
    %dma_wait3A_108 = arith.constant 0 : i32
    %dma_wait3A_109 = tpu.memref_slice %arg4[%mul3A_76, %dma_wait3A_108] : memref<4096x256xf32, #tpu.memory_space<hbm>> -> memref<64x256xf32, #tpu.memory_space<hbm>>
    %dma_wait3A_110 = arith.constant 0 : i32
    %dma_wait3A_111 = arith.constant 0 : i32
    %dma_wait3A_112 = tpu.memref_slice %arg10[%dma_wait3A_110, %dma_wait3A_111] : memref<128x256xf32, #tpu.memory_space<vmem>> -> memref<64x256xf32, #tpu.memory_space<vmem>>
    tpu.wait_dma2 semaphore(%arg13 : memref<!tpu.dma_semaphore, #tpu.memory_space<semaphore_mem>>) src(%dma_wait3A_112 : memref<64x256xf32, #tpu.memory_space<vmem>>) dst(%dma_wait3A_109 : memref<64x256xf32, #tpu.memory_space<hbm>>)
    "tpu.trace_stop"() : () -> ()
    return
  }
}

</mosaic_0001>

<sc_bundles>
// kernel: _run.3.cloned.1.call-start
scs
__scs_entry_jumppad:
0x0: {  	(pc) =	sbr.rel $0x88, $3  }
0x1: {  	(tag) =	ssettag $0x0;
	lr =	simm.s32 $0x1  }
0x2: {  	[smem:$0x3F9F] =	sst lr;
	_ =	strace $0xD0000000  }
0x3: {  	_ = 	snop  }
0x4: {  	_ = 	snop  }
0x5: {  	_ = 	snop  }
0x6: {  	_ = 	snop  }
0x7: {  	_ = 	snop  }
__scs_overlays_trampoline_lowered:
0x8: {  	[smem:$0x3FAE] =	sst s0  }
0x9: {  	[smem:$0x3FAF] =	sst s1  }
0xa: {  	[smem:$0x3FB0] =	sst s2  }
0xb: {  	[smem:$0x3FB1] =	sst s3  }
0xc: {  	[smem:$0x3FB2] =	sst s4  }
0xd: {  	[smem:$0x3FB3] =	sst s5  }
0xe: {  	[smem:$0x3FB4] =	sst s6  }
0xf: {  	[smem:$0x3FB5] =	sst s7  }
0x10: {  	[smem:$0x3FB6] =	sst s8  }
0x11: {  	[smem:$0x3FB7] =	sst s9;
	s0 =	simm.s32 @!p0 $0x0  }
0x12: {  	s1 =	sld [smem:$0x3F9D];
	s0 =	simm.s32 @p0 $0x1  }
0x13: {  	[smem:$0x3FB8] =	sst s0;
	s0 =	simm.s32 @!p1 $0x0  }
0x14: {  	s2 =	sld [smem:$0x3F9C];
	s0 =	simm.s32 @p1 $0x1  }
0x15: {  	[smem:$0x3FB9] =	sst s0;
	s0 =	simm.s32 @!p2 $0x0  }
0x16: {  	s3 =	sld [smem:$0x3FDB];
	s0 =	simm.s32 @p2 $0x1  }
0x17: {  	s4 =	simm.s32 $0x1BF5;
	[smem:$0x3FBB] =	sst s0  }
0x18: {  	s0 =	sld [smem:$0x3F9E];
	_ =	swait.ge [sflag:s4], $0x0  }
0x19: {  	s7 =	sld [smem:$0x3F9F]  }
0x1a: {  	s8 =	sadd.s32 $0xFFFFE003, lr  }
0x1b: {  	s9 =	sadd.s32 $0xFFFFFEF7, lr;
	s5 =	simm.s32 $0xFFFFFFFF;
	p2 =	slt.u32 s8, $0xFFFFF086  }
0x1c: {  	p1 =	slt.u32 s9, $0xF7A;
	s5 =	simm.s32 @!p2 $0x0  }
0x1d: {  	s5 =	simm.s32 @p1 $0x1;
	p0 =	seq.s32 s7, s2  }
0x1e: {  	s7 =	smul.u32 @!p0 $0xF7A, s2;
	p2 =	seq.s32 @!p0 s5, $0x0  }
0x1f: {  	s9 =	smul.u32 $0xF7A, s1;
	s8 =	simm.s32 @!p0 $0x1BF5;
	p2 =	por !p2, p0  }
0x20: {  	[sflag:s8] =	ssyncset.s32 @!p0 $0xFFFFF086;
	s6 =	sadd.s32 @!p0 s3, s7;
	s7 =	simm.s32 @!p0 $0x108  }
0x21: {  	s3 =	sadd.s32 s3, s9;
	s6 =	sadd.s32 @!p0 $0x88, s6;
	s7 =	simm.s32 @p2 $0x1082  }
0x22: {  	[simem:s7], [sflag:s8] =	dma.local @!p0 [hbm:s6], $0xF7A  }
0x23: {  	s9 =	sor.u32 $0xD0000000, s2;
	s6 =	simm.s32 $0x108;
	_ =	swait.ge @!p0 [sflag:s8], $0x0  }
0x24: {  	s3 =	sadd.s32 $0x88, s3;
	s6 =	simm.s32 @!p1 $0x1082;
	[sflag:s4] =	ssyncset.s32 $0xFFFFF086  }
0x25: {  	[simem:s6], [sflag:s4] =	dma.local [hbm:s3], $0xF7A  }
0x26: {  	[smem:$0x3F9F] =	sst s1;
	(tag) =	ssettag s2;
	_ =	strace s9  }
0x27: {  	s1 =	sld [smem:$0x3FAF]  }
0x28: {  	s2 =	sld [smem:$0x3FB0]  }
0x29: {  	s4 =	sld [smem:$0x3FB2]  }
0x2a: {  	p0 =	seq.s32 s5, $0x0;
	s5 =	sld [smem:$0x3FB3]  }
0x2b: {  	s6 =	sld [smem:$0x3FB4]  }
0x2c: {  	s7 =	sld [smem:$0x3FB5]  }
0x2d: {  	s3 =	simm.s32 $0x108;
	s8 =	sld [smem:$0x3FB6]  }
0x2e: {  	s3 =	simm.s32 @!p0 $0x1082;
	s9 =	sld [smem:$0x3FB7]  }
0x2f: {  	lr =	sadd.s32 s0, s3;
	s0 =	sld [smem:$0x3FAE]  }
0x30: {  	s3 =	sld [smem:$0x3FB1]  }
0x31: {  	[smem:$0x3FBA] =	sst s10  }
0x32: {  	s10 =	sld [smem:$0x3FB8];
	_ =	sdelay $0x3  }
0x33: {  	p0 =	seq.s32 s10, $0x1;
	s10 =	sld [smem:$0x3FBA];
	_ =	sdelay $0x3  }
0x34: {  	[smem:$0x3FBA] =	sst s10  }
0x35: {  	s10 =	sld [smem:$0x3FB9];
	_ =	sdelay $0x3  }
0x36: {  	p1 =	seq.s32 s10, $0x1;
	s10 =	sld [smem:$0x3FBA];
	_ =	sdelay $0x3  }
0x37: {  	[smem:$0x3FBA] =	sst s10  }
0x38: {  	s10 =	sld [smem:$0x3FBB]  }
0x39: {  	_ = 	snop;
	(pc) =	sbr.ind lr, $3  }
0x3a: {  	_ = 	snop  }
0x3b: {  	_ = 	snop  }
0x3c: {  	p2 =	seq.s32 s10, $0x1;
	s10 =	sld [smem:$0x3FBA]  }
0x3d: {  	_ =	shalt  }
0x3e: {  	_ =	shalt  }
0x3f: {  	_ =	shalt  }
0x40: {  	_ =	shalt  }
0x41: {  	_ =	shalt  }
0x42: {  	_ =	shalt  }
0x43: {  	_ =	shalt  }
0x44: {  	_ =	shalt  }
0x45: {  	_ =	shalt  }
0x46: {  	_ =	shalt  }
0x47: {  	_ =	shalt  }
0x48: {  	_ =	shalt  }
0x49: {  	_ =	shalt  }
0x4a: {  	_ =	shalt  }
0x4b: {  	_ =	shalt  }
0x4c: {  	_ =	shalt  }
0x4d: {  	_ =	shalt  }
0x4e: {  	_ =	shalt  }
0x4f: {  	_ =	shalt  }
0x50: {  	_ =	shalt  }
0x51: {  	_ =	shalt  }
0x52: {  	_ =	shalt  }
0x53: {  	_ =	shalt  }
0x54: {  	_ =	shalt  }
0x55: {  	_ =	shalt  }
0x56: {  	_ =	shalt  }
0x57: {  	_ =	shalt  }
0x58: {  	_ =	shalt  }
0x59: {  	_ =	shalt  }
0x5a: {  	_ =	shalt  }
0x5b: {  	_ =	shalt  }
0x5c: {  	_ =	shalt  }
0x5d: {  	_ =	shalt  }
0x5e: {  	_ =	shalt  }
0x5f: {  	_ =	shalt  }
0x60: {  	_ =	shalt  }
0x61: {  	_ =	shalt  }
0x62: {  	_ =	shalt  }
0x63: {  	_ =	shalt  }
0x64: {  	_ =	shalt  }
0x65: {  	_ =	shalt  }
0x66: {  	_ =	shalt  }
0x67: {  	_ =	shalt  }
0x68: {  	_ =	shalt  }
0x69: {  	_ =	shalt  }
0x6a: {  	_ =	shalt  }
0x6b: {  	_ =	shalt  }
0x6c: {  	_ =	shalt  }
0x6d: {  	_ =	shalt  }
0x6e: {  	_ =	shalt  }
0x6f: {  	_ =	shalt  }
0x70: {  	_ =	shalt  }
0x71: {  	_ =	shalt  }
0x72: {  	_ =	shalt  }
0x73: {  	_ =	shalt  }
0x74: {  	_ =	shalt  }
0x75: {  	_ =	shalt  }
0x76: {  	_ =	shalt  }
0x77: {  	_ =	shalt  }
0x78: {  	_ =	shalt  }
0x79: {  	_ =	shalt  }
0x7a: {  	_ =	shalt  }
0x7b: {  	_ =	shalt  }
0x7c: {  	_ =	shalt  }
0x7d: {  	_ =	shalt  }
0x7e: {  	_ =	shalt  }
0x7f: {  	_ =	shalt  }
0x80: {  	_ =	shalt  }
0x81: {  	_ =	shalt  }
0x82: {  	_ =	shalt  }
0x83: {  	_ =	shalt  }
0x84: {  	_ =	shalt  }
0x85: {  	_ =	shalt  }
0x86: {  	_ =	shalt  }
0x87: {  	_ =	shalt  }
.Lfunc_end0:
.L_simem_size_0:
called_computation_lowered:
.L_overlay_start_0:
0x88: {  	s2 =	sld [smem:$0x3FD9]  }
0x89: {  	s3 =	sld [smem:$0x3FFE];
	_ =	sdelay $0x1  }
0x8a: {  	s1 =	srdreg.scid  }
0x8b: {  	s0 =	sand.u32 $0x1, s1  }
0x8c: {  	s17 =	sshll.u32 s0, $0xA;
	s2 =	sadd.s32 s3, s2  }
0x8d: {  	s2 =	sadd.s32 s2, s17  }
0x8e: {  	[smem:$0x3FC6] =	sst s2  }
0x8f: {  	_ = 	snop  }
0x90: {  	s2 =	sld [smem:$0x3FC9]  }
0x91: {  	s18 =	sld [smem:$0x3FC8];
	(tm) =	ssettm $0x1  }
0x92: {  	s4 =	sld [smem:$0x3FFB];
	_ =	sdelay $0x3  }
0x93: {  	_ =	strace s4  }
0x94: {  	s4 =	sld [smem:$0x3FFC];
	_ =	sdelay $0x3  }
0x95: {  	_ =	strace s4  }
0x96: {  	s4 =	sld [smem:$0x3FFD];
	_ =	sdelay $0x3  }
0x97: {  	_ =	strace s4  }
0x98: {  	_ =	strace $0x8FFFFFFF  }
0x99: {  	s19 =	sld [smem:$0x3FDB];
	_ =	sdelay $0x1  }
0x9a: {  	s5 =	simm.s32 $_scs_section_size  }
0x9b: {  	s6 =	simm.s32 $_size__tile_overlayer_lowered;
	s7 =	simm.s32 $_tile_overlayer_lowered  }
0x9c: {  	s22 =	simm.s32 $0x1BFF;
	s21 =	sshll.u32 s7, $0x1;
	s4 =	sadd.s32 s5, s19  }
0x9d: {  	s8 =	simm.s32 $0x0;
	s20 =	sshll.u32 s6, $0x1;
	s6 =	sadd.s32 s21, s4  }
0x9e: {  	[timem:s8], [sflag:s22] =	dma.local [hbm:s6], s20  }
0x9f: {  	_ =	swait.ge [sflag:s22], s20  }
0xa0: {  	s5 =	ssub.s32 $0x0, s20;
	[sflag:s22] =	ssyncset.done $0x0  }
0xa1: {  	[sflag:s22] =	ssyncadd.s32 s5;
	_ =	sdelay $0x1  }
0xa2: {  	s23 =	simm.s32 $0x1B8B  }
0xa3: {  	_ =	swait.ge [sflag:s23], $0x1  }
0xa4: {  	[sflag:s23] =	ssyncset.done $0x0  }
0xa5: {  	s25 =	simm.s32 $0x1B8E;
	s24 =	sld [smem:$0x3FFE];
	[sflag:s23] =	ssyncadd.s32 $0xFFFFFFFF  }
0xa6: {  	s26 =	simm.s32 $execute0_lowered;
	[smem:$0x3FD2] =	sst s25  }
0xa7: {  	s6 =	sshll.u32 s26, $0x1;
	_ =	strace $0x80000046;
	[dreg:$0x1] =	wrdreg $0xFFFFFFFF  }
0xa8: {  	s28 =	simm.s32 $_size_execute0_lowered;
	s4 =	sadd.s32 s4, s6;
	[dreg:$0x0] =	wrdreg $0x0  }
0xa9: {  	s6 =	sshll.u32 s28, $0x1;
	[dreg:$0x2] =	wrdreg s4  }
0xaa: {  	[dreg:$0x3] =	wrdreg s6  }
0xab: {  	[dreg:$0x4] =	wrdreg $0xC0  }
0xac: {  	_ =	task [dreg:s8], $0x5FFFF  }
0xad: {  	[dreg:$0x1] =	wrdreg $0xFFFFFFFF  }
0xae: {  	[dreg:$0x0] =	wrdreg $0x60  }
0xaf: {  	[dreg:$0x2] =	wrdreg s2  }
0xb0: {  	[dreg:$0x3] =	wrdreg s18  }
0xb1: {  	[dreg:$0x4] =	wrdreg s24  }
0xb2: {  	[dreg:$0x5] =	wrdreg $0x9  }
0xb3: {  	_ =	task.clear_ibuf [dreg:s8], $0x6FFFF;
	_ =	strace $0x90000046  }
0xb4: {  	s29 =	simm.s32 $0x9;
	_ =	strace $0x8000004C  }
0xb5: {  	_ =	swait.ge [sflag:s29], $0x1  }
0xb6: {  	[sflag:s29] =	ssyncadd.s32 $0xFFFFFFFF  }
0xb7: {  	_ =	strace $0x9000004C  }
0xb8: {  	_ =	sfence  }
0xb9: {  	s30 =	sld [smem:$0x0];
	_ =	sdelay $0x2  }
0xba: {  	s31 =	sshll.u32 s1, $0xD;
	s1 =	sshrl.u32 s1, $0x2  }
0xbb: {  	s3 =	sand.u32 $0x4000, s31;
	s1 =	sadd.s32 s1, s30  }
0xbc: {  	s0 =	sor.u32 s3, s0;
	s1 =	sshll.u32 s1, $0x11  }
0xbd: {  	s0 =	sor.u32 s1, s0  }
0xbe: {  	s0 =	sadd.s32 $0x8F2B, s0  }
0xbf: {  	[sflag:s0] =	ssyncadd.remote.s32 $0x1  }
0xc0: {  	_ =	sfence.sel $0xFFFF  }
0xc1: {  	[dreg:$0x0] =	wrdreg $0xFFFFFFFF;
	(pc) =	sbr.abs _section_cstart, $3  }
0xc2: {  	[dreg:$0x1] =	wrdreg $0xFFFFFFFF  }
0xc3: {  	_ =	task.clear_ibuf [dreg:s8], $0x2FFFF;
	_ =	strace $0x9FFFFFFF  }
0xc4: {  	(tm) =	ssettm $0x7FFFFFFF  }
0xc5: {  	_ =	shalt  }
tec
execute0_lowered:
.L_overlay_start_1:
0x0: {  	(tag) =	ssettag $0x1  }
0x1: {  	s1 =	rddreg [dreg:$0x0]  }
0x2: {  	s0 =	rddreg [dreg:$0x1]  }
0x3: {  	s2 =	rddreg [dreg:$0x2];
	s4 =	srdreg.scid;
	s3 =	simm.s32 $0x0  }
0x4: {  	s7 =	stileid.u32;
	s9 =	simm.s32 $0x4;
	s14 =	simm.s32 $0xA580  }
0x5: {  	s15 =	simm.s32 $0xA980;
	s16 =	simm.s32 $0xB180;
	s17 =	simm.s32 $0xB580  }
0x6: {  	s18 =	simm.s32 $0xBD80;
	s19 =	simm.s32 $0x1;
	s20 =	simm.s32 $0xC180  }
0x7: {  	s21 =	simm.s32 $0x10180;
	s22 =	simm.s32 $0x2;
	s23 =	simm.s32 $0x14180  }
0x8: {  	s24 =	simm.s32 $0x3;
	s4 =	sand.u32 $0x1, s4;
	[smem:$0x7FF] =	sst s3  }
0x9: {  	s25 =	simm.s32 $0x0;
	s5 =	sshll.u32 s4, $0x4;
	_ =	strace $0x80000047  }
0xa: {  	s4 =	ssub.s32 $0x2, s4;
	s5 =	sor.u32 s7, s5;
	s7 =	sshll.u32 s7, $0x4  }
0xb: {  	s30 =	sshrl.u32 s4, $0x1;
	s6 =	sshll.u32 s5, $0xC;
	s7 =	sand.u32 $0x10, s7  }
0xc: {  	v3 =	vlaneseq.u32;
	vm0 =	vmmov $0xffff;
	s8 =	ssub.s32 s4, s30;
	s31 =	sshll.u32 s5, $0xB;
	s5 =	sadd.s32 $0x100, s1  }
0xd: {  	vm1 =	vmmov $0xff;
	v2 =	vshrl.u32 v3, $0x3;
	v1 =	vand.u32 $0x7, v3;
	s2 =	sadd.s32 s6, s2;
	s4 =	sadd.s32 s0, s7;
	s0 =	sand.u32 $0xF000, s31  }
0xe: {  	v3 =	vor.u32 $0x8, v3;
	v2 =	vmul.u32 $0x8, v2;
	s8 =	smax.u32 s8, $0x1;
	s6 =	sadd.s32 $0x400, s2;
	s7 =	sadd.s32 $0xC00, s2;
	v0 =	vmov s0  }
.LBB2_1:
0xf: {  	_ =	strace $0x80000048  }
0x10: {  	[tilespmem:s3], [sflag:$0x4] =	stream.linear.gather [hbm4b:s4+s3], $0x80, $0x200038;
	[tilespmem:$0x18180] =	vst v63  }
0x11: {  	_ =	swait.ge [sflag:s9], $0x80  }
0x12: {  	[sflag:s9] =	ssyncset.done $0x0  }
0x13: {  	[sflag:s9] =	ssyncadd.s32 $0xFFFFFF80  }
0x14: {  	v4 =	vld [tilespmem:$0x0]  }
0x15: {  	v5 =	vld [tilespmem:$0x40]  }
0x16: {  	v6 =	vld [tilespmem:$0x10]  }
0x17: {  	v7 =	vld [tilespmem:$0x50]  }
0x18: {  	v8 =	vld [tilespmem:$0x20]  }
0x19: {  	v9 =	vld [tilespmem:$0x60];
	v4 =	vadd.s32 v0, v4  }
0x1a: {  	[tilespmem:$0x80] =	vst v4;
	v4 =	vadd.s32 v0, v5;
	v5 =	vld [tilespmem:$0x30]  }
0x1b: {  	v63 =	vld [tilespmem:$0x70];
	[tilespmem:$0x100] =	vst v4;
	v4 =	vadd.s32 v0, v6  }
0x1c: {  	[tilespmem:$0x90] =	vst v4;
	v4 =	vadd.s32 v0, v7  }
0x1d: {  	[tilespmem:$0x110] =	vst v4;
	v4 =	vadd.s32 v0, v8  }
0x1e: {  	[tilespmem:$0xA0] =	vst v4;
	v4 =	vadd.s32 v0, v9  }
0x1f: {  	[tilespmem:$0x120] =	vst v4;
	v4 =	vadd.s32 v0, v5  }
0x20: {  	[tilespmem:$0xB0] =	vst v4;
	v4 =	vadd.s32 v0, v63  }
0x21: {  	[tilespmem:$0x130] =	vst v4  }
0x22: {  	_ =	strace $0x90000048  }
0x23: {  	_ =	strace $0x80000049  }
0x24: {  	v4 =	vld [tilespmem:$0x80];
	_ =	sdelay $0x4  }
0x25: {  	v5 =	vshrl.u32 v4, $0x3  }
0x26: {  	v5 =	vmul.u32 $0x18, v5  }
0x27: {  	v4 =	vand.u32 $0x7, v4  }
0x28: {  	v4 =	vor.u32 v4, v5  }
0x29: {  	v5 =	vperm.xlane v4, v1;
	_ =	sdelay $0x1  }
0x2a: {  	v5 =	vadd.s32 v2, v5;
	_ =	sdelay $0x1  }
0x2b: {  	v4 =	vperm.xlane v4, v3;
	_ =	sdelay $0x1  }
0x2c: {  	s0 =	simm.s32 $0x180;
	v4 =	vadd.s32 v2, v4  }
0x2d: {  	[tilespmem:s0], [sflag:$0x1] =	stream.indirect_vreg.gather [hbm4b:s1+s3], $0x80, v5, vm0, $0x2000b8;
	[tilespmem:$0x18180] =	vst v63  }
0x2e: {  	s11 =	simm.s32 $0x980  }
0x2f: {  	[tilespmem:s11], [sflag:$0x1] =	stream.indirect_vreg.gather [hbm4b:s5+s3], $0x80, v5, vm1, $0x2000b8;
	[tilespmem:$0x18180] =	vst v63  }
0x30: {  	s12 =	simm.s32 $0xD80  }
0x31: {  	[tilespmem:s12], [sflag:$0x1] =	stream.indirect_vreg.gather [hbm4b:s1+s3], $0x80, v4, vm0, $0x2000b8;
	[tilespmem:$0x18180] =	vst v63  }
0x32: {  	s13 =	simm.s32 $0x1580  }
0x33: {  	[tilespmem:s13], [sflag:$0x1] =	stream.indirect_vreg.gather [hbm4b:s5+s3], $0x80, v4, vm1, $0x2000b8;
	[tilespmem:$0x18180] =	vst v63  }
0x34: {  	v4 =	vld [tilespmem:$0x90];
	_ =	sdelay $0x4  }
0x35: {  	v5 =	vshrl.u32 v4, $0x3  }
0x36: {  	v5 =	vmul.u32 $0x18, v5  }
0x37: {  	v4 =	vand.u32 $0x7, v4  }
0x38: {  	v4 =	vor.u32 v4, v5  }
0x39: {  	v5 =	vperm.xlane v4, v1;
	_ =	sdelay $0x1  }
0x3a: {  	v5 =	vadd.s32 v2, v5;
	_ =	sdelay $0x1  }
0x3b: {  	v4 =	vperm.xlane v4, v3;
	_ =	sdelay $0x1  }
0x3c: {  	s26 =	simm.s32 $0x1980;
	v4 =	vadd.s32 v2, v4  }
0x3d: {  	[tilespmem:s26], [sflag:$0x1] =	stream.indirect_vreg.gather [hbm4b:s1+s3], $0x80, v5, vm0, $0x2000b8;
	[tilespmem:$0x18180] =	vst v63  }
0x3e: {  	s31 =	simm.s32 $0x2180  }
0x3f: {  	[tilespmem:s31], [sflag:$0x1] =	stream.indirect_vreg.gather [hbm4b:s5+s3], $0x80, v5, vm1, $0x2000b8;
	[tilespmem:$0x18180] =	vst v63  }
0x40: {  	s2 =	simm.s32 $0x2580  }
0x41: {  	[tilespmem:s2], [sflag:$0x1] =	stream.indirect_vreg.gather [hbm4b:s1+s3], $0x80, v4, vm0, $0x2000b8;
	[tilespmem:$0x18180] =	vst v63  }
0x42: {  	s10 =	simm.s32 $0x2D80  }
0x43: {  	[tilespmem:s10], [sflag:$0x1] =	stream.indirect_vreg.gather [hbm4b:s5+s3], $0x80, v4, vm1, $0x2000b8;
	[tilespmem:$0x18180] =	vst v63  }
0x44: {  	v4 =	vld [tilespmem:$0xA0];
	_ =	sdelay $0x4  }
0x45: {  	v5 =	vshrl.u32 v4, $0x3  }
0x46: {  	v5 =	vmul.u32 $0x18, v5  }
0x47: {  	v4 =	vand.u32 $0x7, v4  }
0x48: {  	v4 =	vor.u32 v4, v5  }
0x49: {  	v5 =	vperm.xlane v4, v1;
	_ =	sdelay $0x1  }
0x4a: {  	v5 =	vadd.s32 v2, v5;
	_ =	sdelay $0x1  }
0x4b: {  	v4 =	vperm.xlane v4, v3;
	_ =	sdelay $0x1  }
0x4c: {  	s11 =	simm.s32 $0x3180;
	v4 =	vadd.s32 v2, v4  }
0x4d: {  	[tilespmem:s11], [sflag:$0x1] =	stream.indirect_vreg.gather [hbm4b:s1+s3], $0x80, v5, vm0, $0x2000b8;
	[tilespmem:$0x18180] =	vst v63  }
0x4e: {  	s12 =	simm.s32 $0x3980  }
0x4f: {  	[tilespmem:s12], [sflag:$0x1] =	stream.indirect_vreg.gather [hbm4b:s5+s3], $0x80, v5, vm1, $0x2000b8;
	[tilespmem:$0x18180] =	vst v63  }
0x50: {  	s13 =	simm.s32 $0x3D80  }
0x51: {  	[tilespmem:s13], [sflag:$0x1] =	stream.indirect_vreg.gather [hbm4b:s1+s3], $0x80, v4, vm0, $0x2000b8;
	[tilespmem:$0x18180] =	vst v63  }
0x52: {  	s26 =	simm.s32 $0x4580  }
0x53: {  	[tilespmem:s26], [sflag:$0x1] =	stream.indirect_vreg.gather [hbm4b:s5+s3], $0x80, v4, vm1, $0x2000b8;
	[tilespmem:$0x18180] =	vst v63  }
0x54: {  	v4 =	vld [tilespmem:$0xB0];
	_ =	sdelay $0x4  }
0x55: {  	v5 =	vshrl.u32 v4, $0x3  }
0x56: {  	v5 =	vmul.u32 $0x18, v5  }
0x57: {  	v4 =	vand.u32 $0x7, v4  }
0x58: {  	v4 =	vor.u32 v4, v5  }
0x59: {  	v5 =	vperm.xlane v4, v1;
	_ =	sdelay $0x1  }
0x5a: {  	v5 =	vadd.s32 v2, v5;
	_ =	sdelay $0x1  }
0x5b: {  	v4 =	vperm.xlane v4, v3;
	_ =	sdelay $0x1  }
0x5c: {  	s31 =	simm.s32 $0x4980;
	v4 =	vadd.s32 v2, v4  }
0x5d: {  	[tilespmem:s31], [sflag:$0x1] =	stream.indirect_vreg.gather [hbm4b:s1+s3], $0x80, v5, vm0, $0x2000b8;
	[tilespmem:$0x18180] =	vst v63  }
0x5e: {  	s2 =	simm.s32 $0x5180  }
0x5f: {  	[tilespmem:s2], [sflag:$0x1] =	stream.indirect_vreg.gather [hbm4b:s5+s3], $0x80, v5, vm1, $0x2000b8;
	[tilespmem:$0x18180] =	vst v63  }
0x60: {  	s10 =	simm.s32 $0x5580  }
0x61: {  	[tilespmem:s10], [sflag:$0x1] =	stream.indirect_vreg.gather [hbm4b:s1+s3], $0x80, v4, vm0, $0x2000b8;
	[tilespmem:$0x18180] =	vst v63  }
0x62: {  	s11 =	simm.s32 $0x5D80  }
0x63: {  	[tilespmem:s11], [sflag:$0x1] =	stream.indirect_vreg.gather [hbm4b:s5+s3], $0x80, v4, vm1, $0x2000b8;
	[tilespmem:$0x18180] =	vst v63  }
0x64: {  	v4 =	vld [tilespmem:$0x100];
	_ =	sdelay $0x4  }
0x65: {  	v5 =	vshrl.u32 v4, $0x3  }
0x66: {  	v5 =	vmul.u32 $0x18, v5  }
0x67: {  	v4 =	vand.u32 $0x7, v4  }
0x68: {  	v4 =	vor.u32 v4, v5  }
0x69: {  	v5 =	vperm.xlane v4, v1;
	_ =	sdelay $0x1  }
0x6a: {  	v5 =	vadd.s32 v2, v5;
	_ =	sdelay $0x1  }
0x6b: {  	v4 =	vperm.xlane v4, v3;
	_ =	sdelay $0x1  }
0x6c: {  	s12 =	simm.s32 $0x6180;
	v4 =	vadd.s32 v2, v4  }
0x6d: {  	[tilespmem:s12], [sflag:$0x2] =	stream.indirect_vreg.gather [hbm4b:s1+s3], $0x80, v5, vm0, $0x2000b8;
	[tilespmem:$0x18180] =	vst v63  }
0x6e: {  	s13 =	simm.s32 $0x6980  }
0x6f: {  	[tilespmem:s13], [sflag:$0x2] =	stream.indirect_vreg.gather [hbm4b:s5+s3], $0x80, v5, vm1, $0x2000b8;
	[tilespmem:$0x18180] =	vst v63  }
0x70: {  	s26 =	simm.s32 $0x6D80  }
0x71: {  	[tilespmem:s26], [sflag:$0x2] =	stream.indirect_vreg.gather [hbm4b:s1+s3], $0x80, v4, vm0, $0x2000b8;
	[tilespmem:$0x18180] =	vst v63  }
0x72: {  	s31 =	simm.s32 $0x7580  }
0x73: {  	[tilespmem:s31], [sflag:$0x2] =	stream.indirect_vreg.gather [hbm4b:s5+s3], $0x80, v4, vm1, $0x2000b8;
	[tilespmem:$0x18180] =	vst v63  }
0x74: {  	v4 =	vld [tilespmem:$0x110];
	_ =	sdelay $0x4  }
0x75: {  	v5 =	vshrl.u32 v4, $0x3  }
0x76: {  	v5 =	vmul.u32 $0x18, v5  }
0x77: {  	v4 =	vand.u32 $0x7, v4  }
0x78: {  	v4 =	vor.u32 v4, v5  }
0x79: {  	v5 =	vperm.xlane v4, v1;
	_ =	sdelay $0x1  }
0x7a: {  	v5 =	vadd.s32 v2, v5;
	_ =	sdelay $0x1  }
0x7b: {  	v4 =	vperm.xlane v4, v3;
	_ =	sdelay $0x1  }
0x7c: {  	s2 =	simm.s32 $0x7980;
	v4 =	vadd.s32 v2, v4  }
0x7d: {  	[tilespmem:s2], [sflag:$0x2] =	stream.indirect_vreg.gather [hbm4b:s1+s3], $0x80, v5, vm0, $0x2000b8;
	[tilespmem:$0x18180] =	vst v63  }
0x7e: {  	s10 =	simm.s32 $0x8180  }
0x7f: {  	[tilespmem:s10], [sflag:$0x2] =	stream.indirect_vreg.gather [hbm4b:s5+s3], $0x80, v5, vm1, $0x2000b8;
	[tilespmem:$0x18180] =	vst v63  }
0x80: {  	s11 =	simm.s32 $0x8580  }
0x81: {  	[tilespmem:s11], [sflag:$0x2] =	stream.indirect_vreg.gather [hbm4b:s1+s3], $0x80, v4, vm0, $0x2000b8;
	[tilespmem:$0x18180] =	vst v63  }
0x82: {  	s12 =	simm.s32 $0x8D80  }
0x83: {  	[tilespmem:s12], [sflag:$0x2] =	stream.indirect_vreg.gather [hbm4b:s5+s3], $0x80, v4, vm1, $0x2000b8;
	[tilespmem:$0x18180] =	vst v63  }
0x84: {  	v4 =	vld [tilespmem:$0x120];
	_ =	sdelay $0x4  }
0x85: {  	v5 =	vshrl.u32 v4, $0x3  }
0x86: {  	v5 =	vmul.u32 $0x18, v5  }
0x87: {  	v4 =	vand.u32 $0x7, v4  }
0x88: {  	v4 =	vor.u32 v4, v5  }
0x89: {  	v5 =	vperm.xlane v4, v1;
	_ =	sdelay $0x1  }
0x8a: {  	v5 =	vadd.s32 v2, v5;
	_ =	sdelay $0x1  }
0x8b: {  	v4 =	vperm.xlane v4, v3;
	_ =	sdelay $0x1  }
0x8c: {  	s13 =	simm.s32 $0x9180;
	v4 =	vadd.s32 v2, v4  }
0x8d: {  	[tilespmem:s13], [sflag:$0x2] =	stream.indirect_vreg.gather [hbm4b:s1+s3], $0x80, v5, vm0, $0x2000b8;
	[tilespmem:$0x18180] =	vst v63  }
0x8e: {  	s26 =	simm.s32 $0x9980  }
0x8f: {  	[tilespmem:s26], [sflag:$0x2] =	stream.indirect_vreg.gather [hbm4b:s5+s3], $0x80, v5, vm1, $0x2000b8;
	[tilespmem:$0x18180] =	vst v63  }
0x90: {  	s31 =	simm.s32 $0x9D80  }
0x91: {  	[tilespmem:s31], [sflag:$0x2] =	stream.indirect_vreg.gather [hbm4b:s1+s3], $0x80, v4, vm0, $0x2000b8;
	[tilespmem:$0x18180] =	vst v63  }
0x92: {  	_ = 	snop  }
0x93: {  	[tilespmem:s14], [sflag:$0x2] =	stream.indirect_vreg.gather [hbm4b:s5+s3], $0x80, v4, vm1, $0x2000b8;
	[tilespmem:$0x18180] =	vst v63  }
0x94: {  	v4 =	vld [tilespmem:$0x130];
	_ =	sdelay $0x4  }
0x95: {  	v5 =	vshrl.u32 v4, $0x3  }
0x96: {  	v5 =	vmul.u32 $0x18, v5  }
0x97: {  	v4 =	vand.u32 $0x7, v4  }
0x98: {  	v4 =	vor.u32 v4, v5  }
0x99: {  	v5 =	vperm.xlane v4, v1;
	_ =	sdelay $0x1  }
0x9a: {  	v5 =	vadd.s32 v2, v5;
	_ =	sdelay $0x1  }
0x9b: {  	v4 =	vperm.xlane v4, v3;
	_ =	sdelay $0x1  }
0x9c: {  	v4 =	vadd.s32 v2, v4  }
0x9d: {  	[tilespmem:s15], [sflag:$0x2] =	stream.indirect_vreg.gather [hbm4b:s1+s3], $0x80, v5, vm0, $0x2000b8;
	[tilespmem:$0x18180] =	vst v63  }
0x9e: {  	_ = 	snop  }
0x9f: {  	[tilespmem:s16], [sflag:$0x2] =	stream.indirect_vreg.gather [hbm4b:s5+s3], $0x80, v5, vm1, $0x2000b8;
	[tilespmem:$0x18180] =	vst v63  }
0xa0: {  	_ = 	snop  }
0xa1: {  	[tilespmem:s17], [sflag:$0x2] =	stream.indirect_vreg.gather [hbm4b:s1+s3], $0x80, v4, vm0, $0x2000b8;
	[tilespmem:$0x18180] =	vst v63  }
0xa2: {  	_ = 	snop  }
0xa3: {  	[tilespmem:s18], [sflag:$0x2] =	stream.indirect_vreg.gather [hbm4b:s5+s3], $0x80, v4, vm1, $0x2000b8;
	[tilespmem:$0x18180] =	vst v63  }
0xa4: {  	_ =	strace $0x90000049  }
0xa5: {  	_ =	strace $0x8000004A  }
0xa6: {  	_ =	swait.ge [sflag:s19], $0x6000  }
0xa7: {  	s28 =	simm.s32 $0x0;
	s29 =	simm.s32 $0x0;
	[sflag:s19] =	ssyncset.done $0x0  }
0xa8: {  	s30 =	simm.s32 $0x0;
	s26 =	simm.s32 $0xC280;
	[sflag:s19] =	ssyncadd.s32 $0xFFFFA000  }
.LBB2_2:
0xa9: {  	s31 =	sshrl.u32 s30, $0x1  }
0xaa: {  	s0 =	smul.u32 $0x3000, s31;
	_ =	sdelay $0x1  }
0xab: {  	s2 =	sshra.s32 s0, $0x2  }
0xac: {  	s0 =	sand.u32 $0x200, s29;
	s12 =	sor.u32 $0x180, s2  }
0xad: {  	s10 =	sor.u32 s0, s12  }
0xae: {  	v21 =	vld [tilespmem:s10+$0x0]  }
0xaf: {  	v14 =	vld [tilespmem:s10+$0x10];
	_ =	sdelay $0x1  }
0xb0: {  	v13 =	vld [tilespmem:s10+$0x20];
	_ =	sdelay $0x1  }
0xb1: {  	v9 =	vld [tilespmem:s10+$0x30]  }
0xb2: {  	v4 =	vmul.f32 v21, v21;
	v5 =	vmul.f32 v14, v14  }
0xb3: {  	v7 =	vld [tilespmem:s10+$0x40]  }
0xb4: {  	v6 =	vmul.f32 v13, v13;
	v5 =	vadd.f32 v5, v4  }
0xb5: {  	v4 =	vld [tilespmem:s10+$0x50]  }
0xb6: {  	v8 =	vmul.f32 v9, v9;
	v6 =	vadd.f32 v6, v5  }
0xb7: {  	v5 =	vld [tilespmem:s10+$0x60]  }
0xb8: {  	v10 =	vmul.f32 v7, v7;
	v8 =	vadd.f32 v8, v6  }
0xb9: {  	s13 =	sadd.s32 $0x580, s2;
	v6 =	vld [tilespmem:s10+$0x70]  }
0xba: {  	s2 =	sor.u32 s0, s13;
	v11 =	vmul.f32 v4, v4;
	v8 =	vadd.f32 v10, v8  }
0xbb: {  	v10 =	vld [tilespmem:s2+$0x0]  }
0xbc: {  	v12 =	vmul.f32 v5, v5;
	v8 =	vadd.f32 v11, v8  }
0xbd: {  	v11 =	vld [tilespmem:s2+$0x10]  }
0xbe: {  	v15 =	vmul.f32 v6, v6;
	v8 =	vadd.f32 v12, v8  }
0xbf: {  	v12 =	vld [tilespmem:s2+$0x20]  }
0xc0: {  	v16 =	vmul.f32 v10, v10;
	v15 =	vadd.f32 v15, v8  }
0xc1: {  	v8 =	vld [tilespmem:s2+$0x30]  }
0xc2: {  	v47 =	vmul.f32 v11, v11;
	v15 =	vadd.f32 v16, v15;
	_ =	sdelay $0x1  }
0xc3: {  	v48 =	vmul.f32 v12, v12;
	v15 =	vadd.f32 v47, v15;
	_ =	sdelay $0x1  }
0xc4: {  	v49 =	vmul.f32 v8, v8;
	v15 =	vadd.f32 v48, v15;
	_ =	sdelay $0x1  }
0xc5: {  	v15 =	vadd.f32 v49, v15;
	_ =	sdelay $0x1  }
0xc6: {  	(xrf2) =	vadd.scan.msk.f32 $0xffff, v15;
	_ =	sdelay $0x8  }
0xc7: {  	s10 =	sadd.s32 $0x80, s29  }
0xc8: {  	s2 =	sand.u32 $0x280, s10;
	v15, _, _ =	vpop (xrf2)  }
0xc9: {  	s11 =	sadd.s32 s2, s12;
	[tilespmem:s26+$0xFFFFFF00] =	vst v15  }
0xca: {  	v27 =	vld [tilespmem:s11+$0x0]  }
0xcb: {  	v22 =	vld [tilespmem:s11+$0x10];
	_ =	sdelay $0x1  }
0xcc: {  	v17 =	vld [tilespmem:s11+$0x20];
	_ =	sdelay $0x1  }
0xcd: {  	v15 =	vld [tilespmem:s11+$0x30]  }
0xce: {  	v18 =	vmul.f32 v27, v27;
	v19 =	vmul.f32 v22, v22  }
0xcf: {  	v16 =	vld [tilespmem:s11+$0x40]  }
0xd0: {  	v20 =	vmul.f32 v17, v17;
	v19 =	vadd.f32 v19, v18  }
0xd1: {  	v18 =	vld [tilespmem:s11+$0x50]  }
0xd2: {  	v23 =	vmul.f32 v15, v15;
	v20 =	vadd.f32 v20, v19  }
0xd3: {  	v19 =	vld [tilespmem:s11+$0x60]  }
0xd4: {  	v24 =	vmul.f32 v16, v16;
	v23 =	vadd.f32 v23, v20  }
0xd5: {  	v20 =	vld [tilespmem:s11+$0x70]  }
0xd6: {  	s11 =	sadd.s32 s2, s13;
	v25 =	vmul.f32 v18, v18;
	v24 =	vadd.f32 v24, v23  }
0xd7: {  	v23 =	vld [tilespmem:s11+$0x0]  }
0xd8: {  	v26 =	vmul.f32 v19, v19;
	v25 =	vadd.f32 v25, v24  }
0xd9: {  	v24 =	vld [tilespmem:s11+$0x10]  }
0xda: {  	v28 =	vmul.f32 v20, v20;
	v26 =	vadd.f32 v26, v25  }
0xdb: {  	v25 =	vld [tilespmem:s11+$0x20]  }
0xdc: {  	v29 =	vmul.f32 v23, v23;
	v28 =	vadd.f32 v28, v26  }
0xdd: {  	v26 =	vld [tilespmem:s11+$0x30]  }
0xde: {  	v50 =	vmul.f32 v24, v24;
	v28 =	vadd.f32 v29, v28;
	_ =	sdelay $0x1  }
0xdf: {  	v51 =	vmul.f32 v25, v25;
	v28 =	vadd.f32 v50, v28;
	_ =	sdelay $0x1  }
0xe0: {  	v52 =	vmul.f32 v26, v26;
	v28 =	vadd.f32 v51, v28;
	_ =	sdelay $0x1  }
0xe1: {  	v28 =	vadd.f32 v52, v28;
	_ =	sdelay $0x1  }
0xe2: {  	(xrf2) =	vadd.scan.msk.f32 $0xffff, v28;
	_ =	sdelay $0x8  }
0xe3: {  	s11 =	sadd.s32 $0x100, s29  }
0xe4: {  	s10 =	sand.u32 $0x300, s11;
	v28, _, _ =	vpop (xrf2)  }
0xe5: {  	s11 =	sadd.s32 s10, s12;
	[tilespmem:s26+$0xFFFFFF80] =	vst v28  }
0xe6: {  	v35 =	vld [tilespmem:s11+$0x0]  }
0xe7: {  	v32 =	vld [tilespmem:s11+$0x10];
	_ =	sdelay $0x1  }
0xe8: {  	v29 =	vld [tilespmem:s11+$0x20];
	_ =	sdelay $0x1  }
0xe9: {  	v28 =	vld [tilespmem:s11+$0x30]  }
0xea: {  	v31 =	vmul.f32 v35, v35;
	v33 =	vmul.f32 v32, v32  }
0xeb: {  	v30 =	vld [tilespmem:s11+$0x40]  }
0xec: {  	v34 =	vmul.f32 v29, v29;
	v33 =	vadd.f32 v33, v31  }
0xed: {  	v31 =	vld [tilespmem:s11+$0x50]  }
0xee: {  	v36 =	vmul.f32 v28, v28;
	v34 =	vadd.f32 v34, v33  }
0xef: {  	v33 =	vld [tilespmem:s11+$0x60]  }
0xf0: {  	v37 =	vmul.f32 v30, v30;
	v36 =	vadd.f32 v36, v34  }
0xf1: {  	v34 =	vld [tilespmem:s11+$0x70]  }
0xf2: {  	s11 =	sadd.s32 s10, s13;
	v38 =	vmul.f32 v31, v31;
	v37 =	vadd.f32 v37, v36  }
0xf3: {  	v36 =	vld [tilespmem:s11+$0x0]  }
0xf4: {  	v39 =	vmul.f32 v33, v33;
	v38 =	vadd.f32 v38, v37  }
0xf5: {  	v37 =	vld [tilespmem:s11+$0x10]  }
0xf6: {  	v40 =	vmul.f32 v34, v34;
	v39 =	vadd.f32 v39, v38  }
0xf7: {  	v38 =	vld [tilespmem:s11+$0x20]  }
0xf8: {  	v41 =	vmul.f32 v36, v36;
	v40 =	vadd.f32 v40, v39  }
0xf9: {  	v39 =	vld [tilespmem:s11+$0x30]  }
0xfa: {  	v53 =	vmul.f32 v37, v37;
	v40 =	vadd.f32 v41, v40;
	_ =	sdelay $0x1  }
0xfb: {  	v54 =	vmul.f32 v38, v38;
	v40 =	vadd.f32 v53, v40;
	_ =	sdelay $0x1  }
0xfc: {  	v55 =	vmul.f32 v39, v39;
	v40 =	vadd.f32 v54, v40;
	_ =	sdelay $0x1  }
0xfd: {  	v40 =	vadd.f32 v55, v40;
	_ =	sdelay $0x1  }
0xfe: {  	(xrf2) =	vadd.scan.msk.f32 $0xffff, v40;
	_ =	sdelay $0x8  }
0xff: {  	s11 =	sadd.s32 $0x180, s29  }
0x100: {  	s11 =	sand.u32 $0x380, s11;
	v40, _, _ =	vpop (xrf2)  }
0x101: {  	s12 =	sadd.s32 s11, s12;
	[tilespmem:s26+$0x0] =	vst v40  }
0x102: {  	v46 =	vld [tilespmem:s12+$0x0]  }
0x103: {  	v43 =	vld [tilespmem:s12+$0x10];
	_ =	sdelay $0x1  }
0x104: {  	v41 =	vld [tilespmem:s12+$0x20];
	_ =	sdelay $0x1  }
0x105: {  	v40 =	vld [tilespmem:s12+$0x30]  }
0x106: {  	v44 =	vmul.f32 v46, v46;
	v45 =	vmul.f32 v43, v43  }
0x107: {  	v42 =	vld [tilespmem:s12+$0x40]  }
0x108: {  	v47 =	vmul.f32 v41, v41;
	v45 =	vadd.f32 v45, v44  }
0x109: {  	v44 =	vld [tilespmem:s12+$0x50]  }
0x10a: {  	v48 =	vmul.f32 v40, v40;
	v47 =	vadd.f32 v47, v45  }
0x10b: {  	v45 =	vld [tilespmem:s12+$0x60]  }
0x10c: {  	v49 =	vmul.f32 v42, v42;
	v48 =	vadd.f32 v48, v47  }
0x10d: {  	v47 =	vld [tilespmem:s12+$0x70]  }
0x10e: {  	s13 =	sadd.s32 s11, s13;
	v50 =	vmul.f32 v44, v44;
	v49 =	vadd.f32 v49, v48  }
0x10f: {  	v48 =	vld [tilespmem:s13+$0x0]  }
0x110: {  	v51 =	vmul.f32 v45, v45;
	v50 =	vadd.f32 v50, v49  }
0x111: {  	v49 =	vld [tilespmem:s13+$0x10]  }
0x112: {  	v52 =	vmul.f32 v47, v47;
	v51 =	vadd.f32 v51, v50  }
0x113: {  	v50 =	vld [tilespmem:s13+$0x20]  }
0x114: {  	v53 =	vmul.f32 v48, v48;
	v52 =	vadd.f32 v52, v51  }
0x115: {  	v51 =	vld [tilespmem:s13+$0x30]  }
0x116: {  	v56 =	vmul.f32 v49, v49;
	v52 =	vadd.f32 v53, v52;
	_ =	sdelay $0x1  }
0x117: {  	v57 =	vmul.f32 v50, v50;
	v52 =	vadd.f32 v56, v52;
	_ =	sdelay $0x1  }
0x118: {  	v58 =	vmul.f32 v51, v51;
	v52 =	vadd.f32 v57, v52;
	_ =	sdelay $0x1  }
0x119: {  	v52 =	vadd.f32 v58, v52;
	_ =	sdelay $0x1  }
0x11a: {  	(xrf2) =	vadd.scan.msk.f32 $0xffff, v52;
	_ =	sdelay $0x2  }
0x11b: {  	s12 =	sshll.u32 s28, $0x7  }
0x11c: {  	v59 =	vmov s12  }
0x11d: {  	v52 =	vor.u32 $0xF, v59  }
0x11e: {  	v52 =	vbroadcast v52, $0x0;
	_ =	sdelay $0x3  }
0x11f: {  	v60, _, _ =	vpop (xrf2)  }
0x120: {  	[tilespmem:s26+$0x80] =	vst v60  }
0x121: {  	v52 =	vld.idx.msk [tilespmem:v52+s20+$0x0], $0xffff;
	_ =	sdelay $0x1  }
0x122: {  	s13 =	sadd.s32 $0x80, s12  }
0x123: {  	v55 =	vmov s13  }
0x124: {  	v55 =	vor.u32 $0xF, v55  }
0x125: {  	v55 =	vbroadcast v55, $0x0;
	v61 =	vshra.s32 v52, $0x1;
	v54 =	vmul.f32 $5.000000000e-01, v52  }
0x126: {  	v53 =	vsub.s32 $0x5F3759DF, v61  }
0x127: {  	v56 =	vmul.f32 v53, v54;
	_ =	sdelay $0x1  }
0x128: {  	v56 =	vmul.f32 v53, v56;
	_ =	sdelay $0x1  }
0x129: {  	v55 =	vld.idx.msk [tilespmem:v55+s20+$0x0], $0xffff;
	v56 =	vsub.f32 $1.500000000e+00, v56;
	_ =	sdelay $0x1  }
0x12a: {  	v53 =	vmul.f32 v53, v56  }
0x12b: {  	s13 =	sadd.s32 $0x100, s12  }
0x12c: {  	v62 =	vmov s13;
	v54 =	vmul.f32 v53, v54  }
0x12d: {  	v58 =	vmul.f32 $5.000000000e-01, v55;
	v56 =	vor.u32 $0xF, v62  }
0x12e: {  	v57 =	vshra.s32 v55, $0x1;
	v56 =	vbroadcast v56, $0x0;
	v54 =	vmul.f32 v54, v53  }
0x12f: {  	v57 =	vsub.s32 $0x5F3759DF, v57  }
0x130: {  	v59 =	vmul.f32 v57, v58;
	v54 =	vsub.f32 $1.500000000e+00, v54;
	_ =	sdelay $0x1  }
0x131: {  	v63 =	vmul.f32 v57, v59;
	v53 =	vmul.f32 v54, v53;
	_ =	sdelay $0x1  }
0x132: {  	v59 =	vsub.f32 $1.500000000e+00, v63;
	v54 =	vld.idx.msk [tilespmem:v56+s20+$0x0], $0xffff;
	v52 =	vmul.f32 v53, v52;
	_ =	sdelay $0x1  }
0x133: {  	v53 =	vmul.f32 v57, v59;
	v52 =	vadd.f32 $1.000000010e-07, v52;
	_ =	sdelay $0x1  }
0x134: {  	s12 =	sadd.s32 $0x180, s12;
	v60 =	vmul.f32 v53, v58;
	(erf) = vrcp.f32 v52  }
0x135: {  	v62 =	vmov s12;
	v56 =	vshra.s32 v54, $0x1;
	v61 =	vmul.f32 $5.000000000e-01, v54  }
0x136: {  	v58 =	vor.u32 $0xF, v62;
	v52 =	vmul.f32 v60, v53;
	v56 =	vsub.s32 $0x5F3759DF, v56  }
0x137: {  	v58 =	vbroadcast v58, $0x0;
	v63 =	vmul.f32 v56, v61  }
0x138: {  	v52 =	vsub.f32 $1.500000000e+00, v52  }
0x139: {  	v59 =	vmul.f32 v56, v63  }
0x13a: {  	v52 =	vmul.f32 v52, v53  }
0x13b: {  	v60 =	vsub.f32 $1.500000000e+00, v59  }
0x13c: {  	s31 =	sshll.u32 s31, $0xD;
	v52 =	vmul.f32 v52, v55  }
0x13d: {  	s12 =	sshra.s32 s31, $0x2;
	v53 =	vmul.f32 v56, v60;
	v56 =	vld.idx.msk [tilespmem:v58+s20+$0x0], $0xffff;
	v55 =	vpop (erf)  }
0x13e: {  	s12 =	sadd.s32 $0x10180, s12;
	v52 =	vadd.f32 $1.000000010e-07, v52;
	v21 =	vmul.f32 v55, v21  }
0x13f: {  	s0 =	sor.u32 s0, s12;
	v57 =	vmul.f32 v53, v61;
	v14 =	vmul.f32 v55, v14  }
0x140: {  	(erf) = vrcp.f32 v52;
	v13 =	vmul.f32 v55, v13;
	[tilespmem:s0+$0x0] =	vst v21  }
0x141: {  	v9 =	vmul.f32 v55, v9;
	v61 =	vmul.f32 v57, v53;
	[tilespmem:s0+$0x10] =	vst v14  }
0x142: {  	v7 =	vmul.f32 v55, v7;
	v62 =	vshra.s32 v56, $0x1;
	v63 =	vmul.f32 $5.000000000e-01, v56;
	[tilespmem:s0+$0x20] =	vst v13  }
0x143: {  	v4 =	vmul.f32 v55, v4;
	[tilespmem:s0+$0x30] =	vst v9;
	v57 =	vsub.f32 $1.500000000e+00, v61;
	v14 =	vsub.s32 $0x5F3759DF, v62  }
0x144: {  	v5 =	vmul.f32 v55, v5;
	[tilespmem:s0+$0x40] =	vst v7;
	v58 =	vmul.f32 v14, v63  }
0x145: {  	[tilespmem:s0+$0x50] =	vst v4;
	v4 =	vmul.f32 v55, v6;
	v59 =	vmul.f32 v57, v53  }
0x146: {  	[tilespmem:s0+$0x60] =	vst v5;
	v5 =	vmul.f32 v55, v10;
	v60 =	vmul.f32 v14, v58  }
0x147: {  	[tilespmem:s0+$0x70] =	vst v4;
	v4 =	vmul.f32 v55, v11;
	v7 =	vmul.f32 v59, v54  }
0x148: {  	[tilespmem:s0+$0x400] =	vst v5;
	v5 =	vmul.f32 v55, v12;
	v6 =	vsub.f32 $1.500000000e+00, v60  }
0x149: {  	[tilespmem:s0+$0x410] =	vst v4;
	v4 =	vmul.f32 v55, v8;
	v61 =	vpop (erf);
	v7 =	vadd.f32 $1.000000010e-07, v7  }
0x14a: {  	[tilespmem:s0+$0x420] =	vst v5;
	v6 =	vmul.f32 v14, v6;
	v5 =	vmul.f32 v61, v27  }
0x14b: {  	s2 =	sadd.s32 s2, s12;
	[tilespmem:s0+$0x430] =	vst v4;
	v4 =	vmul.f32 v61, v22;
	(erf) = vrcp.f32 v7  }
0x14c: {  	v62 =	vmul.f32 v6, v63;
	[tilespmem:s2+$0x0] =	vst v5;
	v5 =	vmul.f32 v61, v17  }
0x14d: {  	[tilespmem:s2+$0x10] =	vst v4;
	v4 =	vmul.f32 v61, v15  }
0x14e: {  	v7 =	vmul.f32 v62, v6;
	[tilespmem:s2+$0x20] =	vst v5;
	v5 =	vmul.f32 v61, v16  }
0x14f: {  	[tilespmem:s2+$0x30] =	vst v4;
	v4 =	vmul.f32 v61, v18  }
0x150: {  	v7 =	vsub.f32 $1.500000000e+00, v7;
	[tilespmem:s2+$0x40] =	vst v5;
	v5 =	vmul.f32 v61, v19  }
0x151: {  	[tilespmem:s2+$0x50] =	vst v4;
	v4 =	vmul.f32 v61, v20  }
0x152: {  	v6 =	vmul.f32 v7, v6;
	[tilespmem:s2+$0x60] =	vst v5;
	v5 =	vmul.f32 v61, v23  }
0x153: {  	[tilespmem:s2+$0x70] =	vst v4;
	v4 =	vmul.f32 v61, v24  }
0x154: {  	v6 =	vmul.f32 v6, v56;
	[tilespmem:s2+$0x400] =	vst v5;
	v5 =	vmul.f32 v61, v25  }
0x155: {  	v63 =	vpop (erf);
	[tilespmem:s2+$0x410] =	vst v4;
	v4 =	vmul.f32 v61, v26  }
0x156: {  	v6 =	vadd.f32 $1.000000010e-07, v6;
	[tilespmem:s2+$0x420] =	vst v5;
	v5 =	vmul.f32 v63, v35  }
0x157: {  	s13 =	sadd.s32 s10, s12;
	[tilespmem:s2+$0x430] =	vst v4;
	v4 =	vmul.f32 v63, v32  }
0x158: {  	(erf) = vrcp.f32 v6;
	[tilespmem:s13+$0x0] =	vst v5;
	v5 =	vmul.f32 v63, v29  }
0x159: {  	[tilespmem:s13+$0x10] =	vst v4;
	v4 =	vmul.f32 v63, v28  }
0x15a: {  	[tilespmem:s13+$0x20] =	vst v5;
	v5 =	vmul.f32 v63, v30  }
0x15b: {  	[tilespmem:s13+$0x30] =	vst v4;
	v4 =	vmul.f32 v63, v31  }
0x15c: {  	[tilespmem:s13+$0x40] =	vst v5;
	v5 =	vmul.f32 v63, v33  }
0x15d: {  	[tilespmem:s13+$0x50] =	vst v4;
	v4 =	vmul.f32 v63, v34  }
0x15e: {  	[tilespmem:s13+$0x60] =	vst v5;
	v5 =	vmul.f32 v63, v36  }
0x15f: {  	[tilespmem:s13+$0x70] =	vst v4;
	v4 =	vmul.f32 v63, v37  }
0x160: {  	[tilespmem:s13+$0x400] =	vst v5;
	v5 =	vmul.f32 v63, v38  }
0x161: {  	[tilespmem:s13+$0x410] =	vst v4;
	v4 =	vmul.f32 v63, v39;
	v6 =	vpop (erf)  }
0x162: {  	[tilespmem:s13+$0x420] =	vst v5;
	v5 =	vmul.f32 v6, v46  }
0x163: {  	s31 =	sadd.s32 s11, s12;
	[tilespmem:s13+$0x430] =	vst v4;
	v4 =	vmul.f32 v6, v43  }
0x164: {  	[tilespmem:s31+$0x0] =	vst v5;
	v5 =	vmul.f32 v6, v41  }
0x165: {  	[tilespmem:s31+$0x10] =	vst v4;
	v4 =	vmul.f32 v6, v40  }
0x166: {  	[tilespmem:s31+$0x20] =	vst v5;
	v5 =	vmul.f32 v6, v42  }
0x167: {  	[tilespmem:s31+$0x30] =	vst v4;
	v4 =	vmul.f32 v6, v44  }
0x168: {  	[tilespmem:s31+$0x40] =	vst v5;
	v5 =	vmul.f32 v6, v45  }
0x169: {  	[tilespmem:s31+$0x50] =	vst v4;
	v4 =	vmul.f32 v6, v47  }
0x16a: {  	p0 =	sne.s32 s29, $0x1E00;
	[tilespmem:s31+$0x60] =	vst v5;
	v5 =	vmul.f32 v6, v48  }
.Ltmp0:
0x16b: {  	[tilespmem:s31+$0x70] =	vst v4;
	v4 =	vmul.f32 v6, v49;
	(pc) =	sbr.rel @p0 .LBB2_2-.Ltmp0, $4  }
0x16c: {  	[tilespmem:s31+$0x400] =	vst v5;
	v5 =	vmul.f32 v6, v50  }
0x16d: {  	[tilespmem:s31+$0x410] =	vst v4;
	v4 =	vmul.f32 v6, v51  }
0x16e: {  	s30 =	sadd.s32 $0x1, s30;
	[tilespmem:s31+$0x420] =	vst v5  }
0x16f: {  	s29 =	sadd.s32 $0x200, s29;
	s28 =	sadd.s32 $0x4, s28;
	s26 =	sadd.s32 $0x200, s26;
	[tilespmem:s31+$0x430] =	vst v4  }
0x170: {  	s26 =	simm.s32 $0x0  }
0x171: {  	[hbm4b:s6+s26] =	stream.linear.scatter [tilespmem:s21], [sflag:$0x3], $0x4000, $0x200038;
	[tilespmem:$0x18180] =	vst v63  }
0x172: {  	_ =	strace $0x9000004A  }
0x173: {  	_ =	strace $0x8000004B  }
0x174: {  	_ =	swait.ge [sflag:s22], $0x6000  }
0x175: {  	[sflag:s22] =	ssyncset.done $0x0  }
0x176: {  	s28 =	simm.s32 $0x43;
	s29 =	simm.s32 $0xE300;
	[sflag:s22] =	ssyncadd.s32 $0xFFFFA000  }
.LBB2_4:
0x177: {  	s0 =	sadd.s32 $0xFFFFFFFD, s28  }
0x178: {  	s2 =	sshrl.u32 s0, $0x3  }
0x179: {  	s2 =	smul.u32 $0x3000, s2;
	_ =	sdelay $0x1  }
0x17a: {  	s30 =	sand.u32 $0x200, s26;
	s2 =	sshra.s32 s2, $0x2  }
0x17b: {  	s2 =	sor.u32 s30, s2  }
0x17c: {  	v26 =	vld [tilespmem:s2+$0x180]  }
0x17d: {  	v19 =	vld [tilespmem:s2+$0x190];
	_ =	sdelay $0x1  }
0x17e: {  	v13 =	vld [tilespmem:s2+$0x1A0];
	_ =	sdelay $0x1  }
0x17f: {  	v12 =	vld [tilespmem:s2+$0x1B0]  }
0x180: {  	v4 =	vmul.f32 v26, v26;
	v5 =	vmul.f32 v19, v19  }
0x181: {  	v11 =	vld [tilespmem:s2+$0x1C0]  }
0x182: {  	v6 =	vmul.f32 v13, v13;
	v4 =	vadd.f32 v5, v4  }
0x183: {  	v5 =	vld [tilespmem:s2+$0x1D0]  }
0x184: {  	v7 =	vmul.f32 v12, v12;
	v4 =	vadd.f32 v6, v4  }
0x185: {  	v6 =	vld [tilespmem:s2+$0x1E0]  }
0x186: {  	v8 =	vmul.f32 v11, v11;
	v4 =	vadd.f32 v7, v4  }
0x187: {  	v7 =	vld [tilespmem:s2+$0x1F0]  }
0x188: {  	v9 =	vmul.f32 v5, v5;
	v4 =	vadd.f32 v8, v4  }
0x189: {  	v8 =	vld [tilespmem:s2+$0x580]  }
0x18a: {  	v10 =	vmul.f32 v6, v6;
	v4 =	vadd.f32 v9, v4  }
0x18b: {  	v9 =	vld [tilespmem:s2+$0x590]  }
0x18c: {  	v14 =	vmul.f32 v7, v7;
	v4 =	vadd.f32 v10, v4  }
0x18d: {  	v10 =	vld [tilespmem:s2+$0x5A0]  }
0x18e: {  	v15 =	vmul.f32 v8, v8;
	v14 =	vadd.f32 v14, v4  }
0x18f: {  	v4 =	vld [tilespmem:s2+$0x5B0]  }
0x190: {  	v53 =	vmul.f32 v9, v9;
	v14 =	vadd.f32 v15, v14;
	_ =	sdelay $0x1  }
0x191: {  	v54 =	vmul.f32 v10, v10;
	v14 =	vadd.f32 v53, v14;
	_ =	sdelay $0x1  }
0x192: {  	v55 =	vmul.f32 v4, v4;
	v14 =	vadd.f32 v54, v14;
	_ =	sdelay $0x1  }
0x193: {  	v14 =	vadd.f32 v55, v14;
	_ =	sdelay $0x1  }
0x194: {  	(xrf2) =	vadd.scan.msk.f32 $0xffff, v14;
	_ =	sdelay $0x5  }
0x195: {  	s2 =	sadd.s32 $0xFFFFFFFE, s28  }
0x196: {  	s10 =	sshrl.u32 s2, $0x3  }
0x197: {  	s10 =	smul.u32 $0x3000, s10  }
0x198: {  	s11 =	sadd.s32 $0x2080, s26  }
0x199: {  	s31 =	sand.u32 $0x280, s11;
	s10 =	sshra.s32 s10, $0x2;
	v14, _, _ =	vpop (xrf2)  }
0x19a: {  	s10 =	sor.u32 s31, s10;
	[tilespmem:s29+$0xFFFFFE80] =	vst v14  }
0x19b: {  	v27 =	vld [tilespmem:s10+$0x180]  }
0x19c: {  	v25 =	vld [tilespmem:s10+$0x190];
	_ =	sdelay $0x1  }
0x19d: {  	v16 =	vld [tilespmem:s10+$0x1A0];
	_ =	sdelay $0x1  }
0x19e: {  	v14 =	vld [tilespmem:s10+$0x1B0]  }
0x19f: {  	v17 =	vmul.f32 v27, v27;
	v18 =	vmul.f32 v25, v25  }
0x1a0: {  	v15 =	vld [tilespmem:s10+$0x1C0]  }
0x1a1: {  	v20 =	vmul.f32 v16, v16;
	v18 =	vadd.f32 v18, v17  }
0x1a2: {  	v17 =	vld [tilespmem:s10+$0x1D0]  }
0x1a3: {  	v21 =	vmul.f32 v14, v14;
	v20 =	vadd.f32 v20, v18  }
0x1a4: {  	v18 =	vld [tilespmem:s10+$0x1E0]  }
0x1a5: {  	v22 =	vmul.f32 v15, v15;
	v21 =	vadd.f32 v21, v20  }
0x1a6: {  	v20 =	vld [tilespmem:s10+$0x1F0]  }
0x1a7: {  	v23 =	vmul.f32 v17, v17;
	v22 =	vadd.f32 v22, v21  }
0x1a8: {  	v21 =	vld [tilespmem:s10+$0x580]  }
0x1a9: {  	v24 =	vmul.f32 v18, v18;
	v23 =	vadd.f32 v23, v22  }
0x1aa: {  	v22 =	vld [tilespmem:s10+$0x590]  }
0x1ab: {  	v28 =	vmul.f32 v20, v20;
	v24 =	vadd.f32 v24, v23  }
0x1ac: {  	v23 =	vld [tilespmem:s10+$0x5A0]  }
0x1ad: {  	v29 =	vmul.f32 v21, v21;
	v28 =	vadd.f32 v28, v24  }
0x1ae: {  	v24 =	vld [tilespmem:s10+$0x5B0]  }
0x1af: {  	v56 =	vmul.f32 v22, v22;
	v28 =	vadd.f32 v29, v28;
	_ =	sdelay $0x1  }
0x1b0: {  	v57 =	vmul.f32 v23, v23;
	v28 =	vadd.f32 v56, v28;
	_ =	sdelay $0x1  }
0x1b1: {  	v58 =	vmul.f32 v24, v24;
	v28 =	vadd.f32 v57, v28;
	_ =	sdelay $0x1  }
0x1b2: {  	v28 =	vadd.f32 v58, v28;
	_ =	sdelay $0x1  }
0x1b3: {  	(xrf2) =	vadd.scan.msk.f32 $0xffff, v28;
	_ =	sdelay $0x5  }
0x1b4: {  	s11 =	sadd.s32 $0xFFFFFFFF, s28  }
0x1b5: {  	s12 =	sshrl.u32 s11, $0x3  }
0x1b6: {  	s12 =	smul.u32 $0x3000, s12  }
0x1b7: {  	s13 =	sadd.s32 $0x2100, s26  }
0x1b8: {  	s12 =	sshra.s32 s12, $0x2;
	s10 =	sand.u32 $0x300, s13;
	v28, _, _ =	vpop (xrf2)  }
0x1b9: {  	s12 =	sor.u32 s10, s12;
	[tilespmem:s29+$0xFFFFFF00] =	vst v28  }
0x1ba: {  	v37 =	vld [tilespmem:s12+$0x180]  }
0x1bb: {  	v33 =	vld [tilespmem:s12+$0x190];
	_ =	sdelay $0x1  }
0x1bc: {  	v29 =	vld [tilespmem:s12+$0x1A0];
	_ =	sdelay $0x1  }
0x1bd: {  	v28 =	vld [tilespmem:s12+$0x1B0]  }
0x1be: {  	v31 =	vmul.f32 v37, v37;
	v32 =	vmul.f32 v33, v33  }
0x1bf: {  	v30 =	vld [tilespmem:s12+$0x1C0]  }
0x1c0: {  	v34 =	vmul.f32 v29, v29;
	v32 =	vadd.f32 v32, v31  }
0x1c1: {  	v31 =	vld [tilespmem:s12+$0x1D0]  }
0x1c2: {  	v35 =	vmul.f32 v28, v28;
	v34 =	vadd.f32 v34, v32  }
0x1c3: {  	v32 =	vld [tilespmem:s12+$0x1E0]  }
0x1c4: {  	v36 =	vmul.f32 v30, v30;
	v35 =	vadd.f32 v35, v34  }
0x1c5: {  	v34 =	vld [tilespmem:s12+$0x1F0]  }
0x1c6: {  	v38 =	vmul.f32 v31, v31;
	v36 =	vadd.f32 v36, v35  }
0x1c7: {  	v35 =	vld [tilespmem:s12+$0x580]  }
0x1c8: {  	v39 =	vmul.f32 v32, v32;
	v38 =	vadd.f32 v38, v36  }
0x1c9: {  	v36 =	vld [tilespmem:s12+$0x590]  }
0x1ca: {  	v40 =	vmul.f32 v34, v34;
	v39 =	vadd.f32 v39, v38  }
0x1cb: {  	v38 =	vld [tilespmem:s12+$0x5A0]  }
0x1cc: {  	v41 =	vmul.f32 v35, v35;
	v40 =	vadd.f32 v40, v39  }
0x1cd: {  	v39 =	vld [tilespmem:s12+$0x5B0]  }
0x1ce: {  	v59 =	vmul.f32 v36, v36;
	v40 =	vadd.f32 v41, v40;
	_ =	sdelay $0x1  }
0x1cf: {  	v60 =	vmul.f32 v38, v38;
	v40 =	vadd.f32 v59, v40;
	_ =	sdelay $0x1  }
0x1d0: {  	v61 =	vmul.f32 v39, v39;
	v40 =	vadd.f32 v60, v40;
	_ =	sdelay $0x1  }
0x1d1: {  	v40 =	vadd.f32 v61, v40;
	_ =	sdelay $0x1  }
0x1d2: {  	(xrf2) =	vadd.scan.msk.f32 $0xffff, v40;
	_ =	sdelay $0x6  }
0x1d3: {  	s13 =	sshrl.u32 s28, $0x3  }
0x1d4: {  	s13 =	smul.u32 $0x3000, s13  }
0x1d5: {  	s12 =	sadd.s32 $0x2180, s26  }
0x1d6: {  	s13 =	sshra.s32 s13, $0x2;
	s12 =	sand.u32 $0x380, s12;
	v40, _, _ =	vpop (xrf2)  }
0x1d7: {  	s13 =	sor.u32 s12, s13;
	[tilespmem:s29+$0xFFFFFF80] =	vst v40  }
0x1d8: {  	v48 =	vld [tilespmem:s13+$0x180]  }
0x1d9: {  	v44 =	vld [tilespmem:s13+$0x190];
	_ =	sdelay $0x1  }
0x1da: {  	v41 =	vld [tilespmem:s13+$0x1A0];
	_ =	sdelay $0x1  }
0x1db: {  	v40 =	vld [tilespmem:s13+$0x1B0]  }
0x1dc: {  	v43 =	vmul.f32 v48, v48;
	v45 =	vmul.f32 v44, v44  }
0x1dd: {  	v42 =	vld [tilespmem:s13+$0x1C0]  }
0x1de: {  	v46 =	vmul.f32 v41, v41;
	v45 =	vadd.f32 v45, v43  }
0x1df: {  	v43 =	vld [tilespmem:s13+$0x1D0]  }
0x1e0: {  	v47 =	vmul.f32 v40, v40;
	v46 =	vadd.f32 v46, v45  }
0x1e1: {  	v45 =	vld [tilespmem:s13+$0x1E0]  }
0x1e2: {  	v49 =	vmul.f32 v42, v42;
	v47 =	vadd.f32 v47, v46  }
0x1e3: {  	v46 =	vld [tilespmem:s13+$0x1F0]  }
0x1e4: {  	v50 =	vmul.f32 v43, v43;
	v49 =	vadd.f32 v49, v47  }
0x1e5: {  	v47 =	vld [tilespmem:s13+$0x580]  }
0x1e6: {  	v51 =	vmul.f32 v45, v45;
	v50 =	vadd.f32 v50, v49  }
0x1e7: {  	v49 =	vld [tilespmem:s13+$0x590]  }
0x1e8: {  	v52 =	vmul.f32 v46, v46;
	v51 =	vadd.f32 v51, v50  }
0x1e9: {  	v50 =	vld [tilespmem:s13+$0x5A0]  }
0x1ea: {  	v53 =	vmul.f32 v47, v47;
	v52 =	vadd.f32 v52, v51  }
0x1eb: {  	v51 =	vld [tilespmem:s13+$0x5B0]  }
0x1ec: {  	v62 =	vmul.f32 v49, v49;
	v52 =	vadd.f32 v53, v52;
	_ =	sdelay $0x1  }
0x1ed: {  	v63 =	vmul.f32 v50, v50;
	v52 =	vadd.f32 v62, v52;
	_ =	sdelay $0x1  }
0x1ee: {  	v56 =	vmul.f32 v51, v51;
	v52 =	vadd.f32 v63, v52;
	_ =	sdelay $0x1  }
0x1ef: {  	v52 =	vadd.f32 v56, v52;
	_ =	sdelay $0x1  }
0x1f0: {  	(xrf2) =	vadd.scan.msk.f32 $0xffff, v52;
	_ =	sdelay $0x2  }
0x1f1: {  	s13 =	sshll.u32 s0, $0x7  }
0x1f2: {  	v57 =	vmov s13  }
0x1f3: {  	v52 =	vor.u32 $0xF, v57  }
0x1f4: {  	v52 =	vbroadcast v52, $0x0;
	_ =	sdelay $0x3  }
0x1f5: {  	v58, _, _ =	vpop (xrf2)  }
0x1f6: {  	[tilespmem:s29+$0x0] =	vst v58  }
0x1f7: {  	v52 =	vld.idx.msk [tilespmem:v52+s20+$0x0], $0xffff;
	_ =	sdelay $0x1  }
0x1f8: {  	s13 =	sshll.u32 s2, $0x7  }
0x1f9: {  	v55 =	vmov s13  }
0x1fa: {  	v55 =	vor.u32 $0xF, v55  }
0x1fb: {  	v55 =	vbroadcast v55, $0x0;
	v59 =	vshra.s32 v52, $0x1;
	v54 =	vmul.f32 $5.000000000e-01, v52  }
0x1fc: {  	v53 =	vsub.s32 $0x5F3759DF, v59  }
0x1fd: {  	v56 =	vmul.f32 v53, v54;
	_ =	sdelay $0x1  }
0x1fe: {  	v56 =	vmul.f32 v53, v56;
	_ =	sdelay $0x1  }
0x1ff: {  	v55 =	vld.idx.msk [tilespmem:v55+s20+$0x0], $0xffff;
	v56 =	vsub.f32 $1.500000000e+00, v56;
	_ =	sdelay $0x1  }
0x200: {  	v53 =	vmul.f32 v53, v56  }
0x201: {  	s13 =	sshll.u32 s11, $0x7  }
0x202: {  	v60 =	vmov s13;
	v54 =	vmul.f32 v53, v54  }
0x203: {  	v58 =	vmul.f32 $5.000000000e-01, v55;
	v56 =	vor.u32 $0xF, v60  }
0x204: {  	v57 =	vshra.s32 v55, $0x1;
	v56 =	vbroadcast v56, $0x0;
	v54 =	vmul.f32 v54, v53  }
0x205: {  	v57 =	vsub.s32 $0x5F3759DF, v57  }
0x206: {  	v59 =	vmul.f32 v57, v58;
	v54 =	vsub.f32 $1.500000000e+00, v54;
	_ =	sdelay $0x1  }
0x207: {  	v61 =	vmul.f32 v57, v59;
	v53 =	vmul.f32 v54, v53;
	_ =	sdelay $0x1  }
0x208: {  	v62 =	vsub.f32 $1.500000000e+00, v61;
	v54 =	vld.idx.msk [tilespmem:v56+s20+$0x0], $0xffff;
	v52 =	vmul.f32 v53, v52;
	_ =	sdelay $0x1  }
0x209: {  	v53 =	vmul.f32 v57, v62;
	v52 =	vadd.f32 $1.000000010e-07, v52;
	_ =	sdelay $0x1  }
0x20a: {  	s13 =	sshll.u32 s28, $0x7;
	v63 =	vmul.f32 v53, v58;
	(erf) = vrcp.f32 v52  }
0x20b: {  	v61 =	vmov s13;
	v56 =	vshra.s32 v54, $0x1;
	v60 =	vmul.f32 $5.000000000e-01, v54  }
0x20c: {  	v58 =	vor.u32 $0xF, v61;
	v52 =	vmul.f32 v63, v53;
	v56 =	vsub.s32 $0x5F3759DF, v56  }
0x20d: {  	v58 =	vbroadcast v58, $0x0;
	v62 =	vmul.f32 v56, v60  }
0x20e: {  	v52 =	vsub.f32 $1.500000000e+00, v52  }
0x20f: {  	v59 =	vmul.f32 v56, v62  }
0x210: {  	v52 =	vmul.f32 v52, v53  }
0x211: {  	v63 =	vsub.f32 $1.500000000e+00, v59  }
0x212: {  	v52 =	vmul.f32 v52, v55  }
0x213: {  	s0 =	sshll.u32 s0, $0x8;
	v53 =	vmul.f32 v56, v63;
	v56 =	vld.idx.msk [tilespmem:v58+s20+$0x0], $0xffff;
	v55 =	vpop (erf)  }
0x214: {  	s0 =	sand.u32 $0x3FFFF800, s0;
	v52 =	vadd.f32 $1.000000010e-07, v52;
	v26 =	vmul.f32 v55, v26  }
0x215: {  	s0 =	sor.u32 s30, s0;
	v57 =	vmul.f32 v53, v60;
	v11 =	vmul.f32 v55, v11  }
0x216: {  	s13 =	sadd.s32 $0x10180, s0;
	(erf) = vrcp.f32 v52;
	v5 =	vmul.f32 v55, v5;
	[tilespmem:s0+$0x10180] =	vst v26  }
0x217: {  	v19 =	vmul.f32 v55, v19;
	v6 =	vmul.f32 v55, v6;
	[tilespmem:s13+$0x40] =	vst v11  }
0x218: {  	v57 =	vmul.f32 v57, v53;
	v58 =	vshra.s32 v56, $0x1;
	v59 =	vmul.f32 $5.000000000e-01, v56;
	[tilespmem:s13+$0x50] =	vst v5  }
0x219: {  	v4 =	vmul.f32 v55, v4;
	[tilespmem:s13+$0x10] =	vst v19;
	v19 =	vsub.s32 $0x5F3759DF, v58  }
0x21a: {  	v13 =	vmul.f32 v55, v13;
	[tilespmem:s13+$0x60] =	vst v6;
	v60 =	vsub.f32 $1.500000000e+00, v57;
	v61 =	vmul.f32 v19, v59  }
0x21b: {  	v12 =	vmul.f32 v55, v12;
	v5 =	vmul.f32 v55, v7;
	[tilespmem:s13+$0x430] =	vst v4  }
0x21c: {  	[tilespmem:s13+$0x20] =	vst v13;
	v62 =	vmul.f32 v60, v53;
	v63 =	vmul.f32 v19, v61  }
0x21d: {  	v26 =	vmul.f32 v55, v10;
	[tilespmem:s13+$0x30] =	vst v12  }
0x21e: {  	[tilespmem:s13+$0x70] =	vst v5;
	v5 =	vmul.f32 v55, v9;
	v13 =	vmul.f32 v62, v54;
	v7 =	vsub.f32 $1.500000000e+00, v63  }
0x21f: {  	s30 =	sshll.u32 s2, $0x8;
	v12 =	vmul.f32 v55, v8;
	[tilespmem:s13+$0x420] =	vst v26;
	v53 =	vpop (erf)  }
0x220: {  	s0 =	sand.u32 $0x3FFFF800, s30;
	[tilespmem:s13+$0x410] =	vst v5;
	v8 =	vadd.f32 $1.000000010e-07, v13;
	v5 =	vmul.f32 v19, v7;
	v54 =	vmul.f32 v53, v27  }
0x221: {  	s0 =	sor.u32 s31, s0;
	[tilespmem:s13+$0x400] =	vst v12;
	v4 =	vmul.f32 v53, v25;
	v57 =	vmul.f32 v53, v15  }
0x222: {  	s31 =	sadd.s32 $0x10180, s0;
	(erf) = vrcp.f32 v8;
	v7 =	vmul.f32 v5, v59;
	[tilespmem:s0+$0x10180] =	vst v54  }
0x223: {  	[tilespmem:s31+$0x10] =	vst v4;
	v4 =	vmul.f32 v53, v14  }
0x224: {  	v58 =	vmul.f32 v53, v18;
	[tilespmem:s31+$0x40] =	vst v57;
	v7 =	vmul.f32 v7, v5  }
0x225: {  	[tilespmem:s31+$0x30] =	vst v4;
	v4 =	vmul.f32 v53, v17  }
0x226: {  	v60 =	vmul.f32 v53, v23;
	[tilespmem:s31+$0x60] =	vst v58;
	v7 =	vsub.f32 $1.500000000e+00, v7  }
0x227: {  	[tilespmem:s31+$0x50] =	vst v4;
	v4 =	vmul.f32 v53, v20  }
0x228: {  	v55 =	vmul.f32 v53, v16;
	[tilespmem:s31+$0x420] =	vst v60;
	v5 =	vmul.f32 v7, v5  }
0x229: {  	[tilespmem:s31+$0x70] =	vst v4;
	v4 =	vmul.f32 v53, v22  }
0x22a: {  	v59 =	vmul.f32 v53, v21;
	[tilespmem:s31+$0x20] =	vst v55;
	v5 =	vmul.f32 v5, v56  }
0x22b: {  	s11 =	sshll.u32 s11, $0x8;
	v61 =	vpop (erf);
	[tilespmem:s31+$0x410] =	vst v4;
	v4 =	vmul.f32 v53, v24  }
0x22c: {  	s0 =	sand.u32 $0x3FFFF800, s11;
	[tilespmem:s31+$0x400] =	vst v59;
	v62 =	vmul.f32 v61, v37;
	v5 =	vadd.f32 $1.000000010e-07, v5  }
0x22d: {  	s0 =	sor.u32 s10, s0;
	[tilespmem:s31+$0x430] =	vst v4;
	v4 =	vmul.f32 v61, v33  }
0x22e: {  	s13 =	sadd.s32 $0x10180, s0;
	(erf) = vrcp.f32 v5;
	[tilespmem:s0+$0x10180] =	vst v62;
	v5 =	vmul.f32 v61, v29  }
0x22f: {  	[tilespmem:s13+$0x10] =	vst v4;
	v4 =	vmul.f32 v61, v28  }
0x230: {  	[tilespmem:s13+$0x20] =	vst v5;
	v5 =	vmul.f32 v61, v30  }
0x231: {  	[tilespmem:s13+$0x30] =	vst v4;
	v4 =	vmul.f32 v61, v31  }
0x232: {  	[tilespmem:s13+$0x40] =	vst v5;
	v5 =	vmul.f32 v61, v32  }
0x233: {  	[tilespmem:s13+$0x50] =	vst v4;
	v4 =	vmul.f32 v61, v34  }
0x234: {  	[tilespmem:s13+$0x60] =	vst v5;
	v5 =	vmul.f32 v61, v35  }
0x235: {  	[tilespmem:s13+$0x70] =	vst v4;
	v4 =	vmul.f32 v61, v36  }
0x236: {  	[tilespmem:s13+$0x400] =	vst v5;
	v5 =	vmul.f32 v61, v38  }
0x237: {  	s30 =	sshll.u32 s28, $0x8;
	v63 =	vpop (erf);
	[tilespmem:s13+$0x410] =	vst v4;
	v4 =	vmul.f32 v61, v39  }
0x238: {  	s0 =	sand.u32 $0x3FFFF800, s30;
	[tilespmem:s13+$0x420] =	vst v5;
	v5 =	vmul.f32 v63, v48  }
0x239: {  	s0 =	sor.u32 s12, s0;
	[tilespmem:s13+$0x430] =	vst v4;
	v4 =	vmul.f32 v63, v44  }
0x23a: {  	s31 =	sadd.s32 $0x10180, s0;
	[tilespmem:s0+$0x10180] =	vst v5;
	v5 =	vmul.f32 v63, v41  }
0x23b: {  	[tilespmem:s31+$0x10] =	vst v4;
	v4 =	vmul.f32 v63, v40  }
0x23c: {  	[tilespmem:s31+$0x20] =	vst v5;
	v5 =	vmul.f32 v63, v42  }
0x23d: {  	[tilespmem:s31+$0x30] =	vst v4;
	v4 =	vmul.f32 v63, v43  }
0x23e: {  	[tilespmem:s31+$0x40] =	vst v5;
	v5 =	vmul.f32 v63, v45  }
0x23f: {  	[tilespmem:s31+$0x50] =	vst v4;
	v4 =	vmul.f32 v63, v46  }
0x240: {  	p0 =	sne.s32 s26, $0x1E00;
	[tilespmem:s31+$0x60] =	vst v5;
	v5 =	vmul.f32 v63, v47  }
.Ltmp1:
0x241: {  	[tilespmem:s31+$0x70] =	vst v4;
	v4 =	vmul.f32 v63, v49;
	(pc) =	sbr.rel @p0 .LBB2_4-.Ltmp1, $4  }
0x242: {  	[tilespmem:s31+$0x400] =	vst v5;
	v5 =	vmul.f32 v63, v50  }
0x243: {  	[tilespmem:s31+$0x410] =	vst v4;
	v4 =	vmul.f32 v63, v51  }
0x244: {  	[tilespmem:s31+$0x420] =	vst v5  }
0x245: {  	s26 =	sadd.s32 $0x200, s26;
	s29 =	sadd.s32 $0x200, s29;
	s28 =	sadd.s32 $0x4, s28;
	[tilespmem:s31+$0x430] =	vst v4  }
0x246: {  	[hbm4b:s7+s3] =	stream.linear.scatter [tilespmem:s23], [sflag:$0x4], $0x4000, $0x200038;
	[tilespmem:$0x18180] =	vst v63  }
0x247: {  	s25 =	sadd.s32 $0x1, s25;
	_ =	swait.ge [sflag:s9], $0x4000  }
0x248: {  	p0 =	sne.s32 s25, s8;
	[sflag:s9] =	ssyncset.done $0x0  }
.Ltmp2:
0x249: {  	[sflag:s9] =	ssyncadd.s32 $0xFFFFC000;
	(pc) =	sbr.rel @p0 .LBB2_1-.Ltmp2, $4  }
0x24a: {  	_ =	swait.ge [sflag:s24], $0x4000  }
0x24b: {  	[sflag:s24] =	ssyncset.done $0x0  }
0x24c: {  	[sflag:s24] =	ssyncadd.s32 $0xFFFFC000  }
0x24d: {  	_ =	strace $0x9000004B  }
0x24e: {  	_ =	sfence.sel $0x180000  }
0x24f: {  	[bflag:$0x0] =	sbarrier.arrive $0xFFFF  }
0x250: {  	_ =	strace $0x90000047  }
0x251: {  	s0 =	stileid.u32;
	[bflag:$0x2] =	sbarrier.arrive $0xFFFF  }
0x252: {  	p0 =	sne.s32 s0, $0x0;
	s0 =	rddreg [dreg:$0x3]  }
0x253: {  	s0 =	sadd.s32 @!p0 $0x100000, s0  }
0x254: {  	[sflag:s0] =	ssyncadd.tile.s32 @!p0 $0x1;
	_ =	shalt  }
.Lfunc_end2:
_tile_overlayer_lowered:
.L_overlay_start_2:
0x255: {  	(tag) =	ssettag $0x2  }
0x256: {  	s0 =	rddreg [dreg:$0x0];
	s2 =	stileid.u32  }
0x257: {  	s1 =	rddreg [dreg:$0x1];
	p0 =	sne.s32 s2, $0x0  }
0x258: {  	s3 =	rddreg [dreg:$0x2];
	[bflag:$0x3] =	sbarrier.arrive $0xFFFF;
	s2 =	simm.s32 @!p0 $0x1C04  }
0x259: {  	[timem:s3], [sflag:s2] =	dma.local @!p0 [hbm:s0], s1  }
0x25a: {  	s0 =	simm.s32 @!p0 $0x4  }
0x25b: {  	_ =	swait.ge @!p0 [sflag:s0], s1  }
0x25c: {  	s1 =	ssub.s32 @!p0 $0x0, s1;
	[sflag:s0] =	ssyncset.done @!p0 $0x0  }
0x25d: {  	[sflag:s0] =	ssyncadd.s32 @!p0 s1  }
0x25e: {  	[bflag:$0x3] =	sbarrier.arrive $0xFFFF  }
0x25f: {  	_ =	shalt  }

</sc_bundles>
